<compile_context>
chip_gen: v7x
topology: tpu7x:2x2x1
jax: 0.10.2.dev20260603
libtpu: 0.0.44.dev20260713+nightly
codegen_flags: <defaults>
</compile_context>

<pallas_src>
import jax
import jax.numpy as jnp
from jax import lax
from jax.experimental import pallas as pl
from jax.experimental.pallas import tpu as pltpu

F32 = jnp.float32
I32 = jnp.int32
B = 2
N = 1024
E = 64
K = 20
RB = 256


def _fiota(shape, dim):
    return lax.broadcasted_iota(I32, shape, dim).astype(F32)


def _topk_d_body(d_ref, knn_ref, d_sc, am_sc):
    colio = _fiota((RB, N), 1)
    d_sc[...] = d_ref[0]
    tlane = _fiota((RB, 128), 1)

    def body(t, carry):
        dv = d_sc[...]
        m = jnp.min(dv, axis=1, keepdims=True)
        w = jnp.where(dv == m, colio, F32(2048.0))
        am = jnp.min(w, axis=1, keepdims=True)
        am_sc[...] = jnp.where(tlane == t.astype(F32), am, am_sc[...])
        d_sc[...] = jnp.where(colio == am, F32(jnp.inf), dv)
        return carry

    lax.fori_loop(0, K, body, 0)
    knn_ref[0] = am_sc[:, 0:K].astype(I32)


_topk_d = pl.pallas_call(
    _topk_d_body,
    grid=(B, N // RB),
    in_specs=[pl.BlockSpec((1, RB, N), lambda b, p: (b, p, 0))],
    out_specs=pl.BlockSpec((1, RB, K), lambda b, p: (b, p, 0)),
    out_shape=jax.ShapeDtypeStruct((B, N, K), I32),
    scratch_shapes=[pltpu.VMEM((RB, N), F32), pltpu.VMEM((RB, 128), F32)],
)


def _vn_relu(x):
    norm = jnp.linalg.norm(x, axis=2, keepdims=True)
    direction = x / (norm + 1e-08)
    return jax.nn.relu(norm) * direction


def _vn_layernorm(x):
    norm = jnp.linalg.norm(x, axis=2, keepdims=True)
    mean_norm = jnp.mean(norm, axis=-1, keepdims=True)
    std_norm = jnp.std(norm, axis=-1, keepdims=True) + 1e-08
    norm_normalized = (norm - mean_norm) / std_norm
    direction = x / (norm + 1e-08)
    return norm_normalized * direction


def _vn_edge_conv(x, W1, W2, k):
    Bq, Nq, _, D = x.shape
    positions = jnp.mean(x, axis=-1)
    d = jnp.sum((positions[:, :, None, :] - positions[:, None, :, :]) ** 2, axis=-1)
    d = d + jnp.eye(Nq)[None, :, :] * 10000000000.0
    knn_indices = _topk_d(d)
    batch_indices = jnp.arange(Bq)[:, None, None]
    neighbor_features = x[batch_indices, knn_indices]
    x_expanded = x[:, :, None, :, :]
    edge_features = jnp.concatenate(
        [jnp.tile(x_expanded, (1, 1, k, 1, 1)), neighbor_features - x_expanded],
        axis=-1)
    h = edge_features.reshape(Bq * Nq * k, 3, 2 * D) @ W1
    h = _vn_relu(h)
    h = h @ W2
    Dout = W2.shape[1]
    h = h.reshape(Bq, Nq, k, 3, Dout)
    norms = jnp.linalg.norm(h, axis=3)
    max_indices = jnp.argmax(norms, axis=2)
    idx = max_indices[:, :, None, None, :]
    return jnp.take_along_axis(h, idx, axis=2)[:, :, 0]


@jax.jit
def kernel(x, W0, W1_0, W2_0, W1_1, W2_1, W1_2, W2_2, W1_3, W2_3):
    W1s = [W1_0, W1_1, W1_2, W1_3]
    W2s = [W2_0, W2_1, W2_2, W2_3]
    h = x[:, :, :, None] @ W0
    h = _vn_relu(h)
    for i in range(4):
        h_new = _vn_edge_conv(h, W1s[i], W2s[i], K)
        h = h + h_new
        h = _vn_layernorm(h)
    return h

# --- scband reference (transcript-rebuilt; emitter-appended) ---
"""Pipeline reference for scband-vn-dgcnn-59021440582193 (READ-ONLY COPY).

The authoritative reference and input builder live on the scoring server;
editing this copy changes nothing except your own understanding.
"""

import jax, jax.numpy as jnp
import numpy as np

EMBED_DIM = 64
K = 20
NUM_LAYERS = 4


def knn_graph(x, k):
    B, N, D = x.shape
    d = jnp.sum((x[:, :, None, :] - x[:, None, :, :]) ** 2, axis=-1)
    d = d + jnp.eye(N)[None, :, :] * 10000000000.0
    return jnp.argsort(d, axis=-1)[:, :, :k]


def vn_relu(x):
    # Faithful to original: norm over axis=2 regardless of rank.
    norm = jnp.linalg.norm(x, axis=2, keepdims=True)
    direction = x / (norm + 1e-08)
    return jax.nn.relu(norm) * direction


def vn_layernorm(x):
    norm = jnp.linalg.norm(x, axis=2, keepdims=True)
    mean_norm = jnp.mean(norm, axis=-1, keepdims=True)
    std_norm = jnp.std(norm, axis=-1, keepdims=True) + 1e-08
    norm_normalized = (norm - mean_norm) / std_norm
    direction = x / (norm + 1e-08)
    return norm_normalized * direction


def vn_edge_conv(x, W1, W2, k):
    B, N, _, D = x.shape
    positions = jnp.mean(x, axis=-1)  # (B, N, 3)
    knn_indices = knn_graph(positions, k)  # (B, N, k)
    batch_indices = jnp.arange(B)[:, None, None]
    neighbor_features = x[batch_indices, knn_indices]  # (B, N, k, 3, D)
    x_expanded = x[:, :, None, :, :]
    edge_features = jnp.concatenate(
        [jnp.tile(x_expanded, (1, 1, k, 1, 1)), neighbor_features - x_expanded], axis=-1)
    h = edge_features.reshape(B * N * k, 3, 2 * D) @ W1  # VNLinear 2D -> Dout
    h = vn_relu(h)
    h = h @ W2  # VNLinear Dout -> Dout
    Dout = W2.shape[1]
    h = h.reshape(B, N, k, 3, Dout)
    norms = jnp.linalg.norm(h, axis=3)  # (B, N, k, Dout)
    max_indices = jnp.argmax(norms, axis=2)  # (B, N, Dout)
    idx = max_indices[:, :, None, None, :]  # (B, N, 1, 1, Dout)
    out = jnp.take_along_axis(h, idx, axis=2)[:, :, 0]  # (B, N, 3, Dout)
    return out


def setup_inputs(seed: int = 0) -> dict:
    key = jax.random.key(seed)
    ks = jax.random.split(key, 2 + 2 * NUM_LAYERS)
    B, N = 2, 1024
    x = jax.random.normal(ks[0], (B, N, 3), dtype=jnp.float32)
    W0 = jax.random.normal(ks[1], (1, EMBED_DIM), dtype=jnp.float32)
    inp = {"x": x, "W0": W0}
    for i in range(NUM_LAYERS):
        W1 = jax.random.normal(ks[2 + 2 * i], (2 * EMBED_DIM, EMBED_DIM), dtype=jnp.float32) / np.sqrt(2 * EMBED_DIM)
        W2 = jax.random.normal(ks[3 + 2 * i], (EMBED_DIM, EMBED_DIM), dtype=jnp.float32) / np.sqrt(EMBED_DIM)
        inp[f"W1_{i}"] = W1
        inp[f"W2_{i}"] = W2
    return inp


def reference(x, W0, W1_0, W2_0, W1_1, W2_1, W1_2, W2_2, W1_3, W2_3):
    # Initial VNLinear (in_dim=1 -> embed_dim): (B,N,3,1) @ (1,E)
    h = x[:, :, :, None] @ W0  # (B, N, 3, E)
    h = vn_relu(h)
    W1s = [W1_0, W1_1, W1_2, W1_3]
    W2s = [W2_0, W2_1, W2_2, W2_3]
    for i in range(NUM_LAYERS):
        h_new = vn_edge_conv(h, W1s[i], W2s[i], K)
        h = h + h_new
        h = vn_layernorm(h)
    return h

if __name__ == "__main__":
    import jax
    _d = setup_inputs()
    print(jax.jit(kernel)(*tuple(_d.values())))

</pallas_src>

<mosaic_0001>
module attributes {stable_mosaic.version = 14 : i64} {
  func.func @_topk_d_body(%arg0: i32, %arg1: i32, %arg2: memref<1x256x1024xf32, #tpu.memory_space<vmem>>, %arg3: memref<1x256x20xi32, #tpu.memory_space<vmem>>, %arg4: memref<256x1024xf32, #tpu.memory_space<vmem>>, %arg5: memref<256x128xf32, #tpu.memory_space<vmem>>) attributes {dimension_semantics = [#tpu.dimension_semantics<arbitrary>, #tpu.dimension_semantics<arbitrary>], iteration_bounds = array<i64: 2, 4>, scalar_prefetch = 0 : i64, scratch_operands = 2 : i64, tpu.core_type = #tpu.core_type<tc>, window_params = [{transform_indices = @transform_0, window_bounds = array<i64: 1, 256, 1024>}, {transform_indices = @transform_1, window_bounds = array<i64: 1, 256, 20>}]} {
    %iota3A = tpu.iota {dimensions = array<i32: 1>} : vector<256x1024xi32>
    %convert_element_type3A = arith.sitofp %iota3A : vector<256x1024xi32> to vector<256x1024xf32>
    %get3A = arith.constant 0 : index
    %get3A_0 = arith.constant 0 : index
    %get3A_1 = arith.constant 0 : index
    %get3A_2 = vector.load %arg2[%get3A, %get3A_0, %get3A_1] : memref<1x256x1024xf32, #tpu.memory_space<vmem>>, vector<1x256x1024xf32>
    %get3A_3 = vector.shape_cast %get3A_2 : vector<1x256x1024xf32> to vector<256x1024xf32>
    %swap3A = arith.constant 0 : index
    %swap3A_4 = arith.constant 0 : index
    %swap3A_5 = vector.load %arg4[%swap3A, %swap3A_4] : memref<256x1024xf32, #tpu.memory_space<vmem>>, vector<256x1024xf32>
    tpu.vector_store %arg4[%swap3A, %swap3A_4], %get3A_3 {strides = array<i32>} : memref<256x1024xf32, #tpu.memory_space<vmem>>, vector<256x1024xf32>,
    %iota3A_6 = tpu.iota {dimensions = array<i32: 1>} : vector<256x128xi32>
    %convert_element_type3A_7 = arith.sitofp %iota3A_6 : vector<256x128xi32> to vector<256x128xf32>
    %scan3A = arith.constant 0 : i32
    %scan3A_8 = arith.constant 20 : i32
    %scan3A_9 = arith.addi %scan3A, %scan3A_8 : i32
    %scan3A_10 = arith.constant 1 : i32
    scf.for %scan3A_22 = %scan3A to %scan3A_9 step %scan3A_10  : i32 {
      %get3A_23 = arith.constant 0 : index
      %get3A_24 = arith.constant 0 : index
      %get3A_25 = vector.load %arg4[%get3A_23, %get3A_24] : memref<256x1024xf32, #tpu.memory_space<vmem>>, vector<256x1024xf32>
      %reduce_min3A = arith.constant dense<0x7F800000> : vector<256xf32>
      %reduce_min3A_26 = vector.multi_reduction <minimumf>, %get3A_25, %reduce_min3A [1] : vector<256x1024xf32> to vector<256xf32>
      %broadcast_in_dim3A = vector.shape_cast %reduce_min3A_26 : vector<256xf32> to vector<256x1xf32>
      %eq3A = vector.broadcast %broadcast_in_dim3A : vector<256x1xf32> to vector<256x1024xf32>
      %eq3A_27 = arith.cmpf oeq, %get3A_25, %eq3A : vector<256x1024xf32>
      %jit3A = arith.constant 2.048000e+03 : f32
      %broadcast_in_dim3A_28 = vector.broadcast %jit3A : f32 to vector<256x1024xf32>
      %select_n3A = arith.select %eq3A_27, %convert_element_type3A, %broadcast_in_dim3A_28 : vector<256x1024xi1>, vector<256x1024xf32>
      %reduce_min3A_29 = arith.constant dense<0x7F800000> : vector<256xf32>
      %reduce_min3A_30 = vector.multi_reduction <minimumf>, %select_n3A, %reduce_min3A_29 [1] : vector<256x1024xf32> to vector<256xf32>
      %broadcast_in_dim3A_31 = vector.shape_cast %reduce_min3A_30 : vector<256xf32> to vector<256x1xf32>
      %convert_element_type3A_32 = arith.sitofp %scan3A_22 : i32 to f32
      %eq3A_33 = vector.broadcast %convert_element_type3A_32 : f32 to vector<256x128xf32>
      %eq3A_34 = arith.cmpf oeq, %convert_element_type3A_7, %eq3A_33 : vector<256x128xf32>
      %get3A_35 = arith.constant 0 : index
      %get3A_36 = arith.constant 0 : index
      %get3A_37 = vector.load %arg5[%get3A_35, %get3A_36] : memref<256x128xf32, #tpu.memory_space<vmem>>, vector<256x128xf32>
      %broadcast_in_dim3A_38 = vector.shape_cast %broadcast_in_dim3A_31 : vector<256x1xf32> to vector<256x1xf32>
      %broadcast_in_dim3A_39 = vector.broadcast %broadcast_in_dim3A_38 : vector<256x1xf32> to vector<256x128xf32>
      %select_n3A_40 = arith.select %eq3A_34, %broadcast_in_dim3A_39, %get3A_37 : vector<256x128xi1>, vector<256x128xf32>
      %swap3A_41 = arith.constant 0 : index
      %swap3A_42 = arith.constant 0 : index
      %swap3A_43 = vector.load %arg5[%swap3A_41, %swap3A_42] : memref<256x128xf32, #tpu.memory_space<vmem>>, vector<256x128xf32>
      tpu.vector_store %arg5[%swap3A_41, %swap3A_42], %select_n3A_40 {strides = array<i32>} : memref<256x128xf32, #tpu.memory_space<vmem>>, vector<256x128xf32>,
      %eq3A_44 = vector.broadcast %broadcast_in_dim3A_31 : vector<256x1xf32> to vector<256x1024xf32>
      %eq3A_45 = arith.cmpf oeq, %convert_element_type3A, %eq3A_44 : vector<256x1024xf32>
      %jit3A_46 = arith.constant 0x7F800000 : f32
      %broadcast_in_dim3A_47 = vector.broadcast %jit3A_46 : f32 to vector<256x1024xf32>
      %select_n3A_48 = arith.select %eq3A_45, %broadcast_in_dim3A_47, %get3A_25 : vector<256x1024xi1>, vector<256x1024xf32>
      %swap3A_49 = arith.constant 0 : index
      %swap3A_50 = arith.constant 0 : index
      %swap3A_51 = vector.load %arg4[%swap3A_49, %swap3A_50] : memref<256x1024xf32, #tpu.memory_space<vmem>>, vector<256x1024xf32>
      tpu.vector_store %arg4[%swap3A_49, %swap3A_50], %select_n3A_48 {strides = array<i32>} : memref<256x1024xf32, #tpu.memory_space<vmem>>, vector<256x1024xf32>,
    }
    %scan3A_11 = arith.constant 20 : i32
    %get3A_12 = arith.constant 0 : index
    %get3A_13 = arith.constant 0 : index
    %get3A_14 = vector.load %arg5[%get3A_12, %get3A_13] : memref<256x128xf32, #tpu.memory_space<vmem>>, vector<256x20xf32>
    %convert_element_type3A_15 = arith.fptosi %get3A_14 : vector<256x20xf32> to vector<256x20xi32>
    %swap3A_16 = arith.constant 0 : index
    %swap3A_17 = arith.constant 0 : index
    %swap3A_18 = arith.constant 0 : index
    %swap3A_19 = vector.load %arg3[%swap3A_16, %swap3A_17, %swap3A_18] : memref<1x256x20xi32, #tpu.memory_space<vmem>>, vector<1x256x20xi32>
    %swap3A_20 = vector.shape_cast %swap3A_19 : vector<1x256x20xi32> to vector<256x20xi32>
    %swap3A_21 = vector.shape_cast %convert_element_type3A_15 : vector<256x20xi32> to vector<1x256x20xi32>
    tpu.vector_store %arg3[%swap3A_16, %swap3A_17, %swap3A_18], %swap3A_21 {strides = array<i32>} : memref<1x256x20xi32, #tpu.memory_space<vmem>>, vector<1x256x20xi32>,
    return
  }
  func.func @transform_0(%arg0: i32, %arg1: i32) -> (i32, i32, i32) {
    %c0_i32 = arith.constant 0 : i32
    %c0_i32_0 = arith.constant 0 : i32
    return %arg0, %arg1, %c0_i32 : i32, i32, i32
  }
  func.func @transform_1(%arg0: i32, %arg1: i32) -> (i32, i32, i32) {
    %c0_i32 = arith.constant 0 : i32
    %c0_i32_0 = arith.constant 0 : i32
    return %arg0, %arg1, %c0_i32 : i32, i32, i32
  }
}

</mosaic_0001>

<sc_bundles>
// kernel: gather_offload_async_start.1
scs
__scs_entry_jumppad:
0x0: {  	(pc) =	sbr.rel $0x88, $3  }
0x1: {  	(tag) =	ssettag $0x0;
	lr =	simm.s32 $0x1  }
0x2: {  	[smem:$0x3F97] =	sst lr;
	_ =	strace $0xD0000000  }
0x3: {  	_ = 	snop  }
0x4: {  	_ = 	snop  }
0x5: {  	_ = 	snop  }
0x6: {  	_ = 	snop  }
0x7: {  	_ = 	snop  }
__scs_overlays_trampoline_lowered:
0x8: {  	[smem:$0x3FA6] =	sst s0  }
0x9: {  	[smem:$0x3FA7] =	sst s1  }
0xa: {  	[smem:$0x3FA8] =	sst s2  }
0xb: {  	[smem:$0x3FA9] =	sst s3  }
0xc: {  	[smem:$0x3FAA] =	sst s4  }
0xd: {  	[smem:$0x3FAB] =	sst s5  }
0xe: {  	[smem:$0x3FAC] =	sst s6  }
0xf: {  	[smem:$0x3FAD] =	sst s7  }
0x10: {  	[smem:$0x3FAE] =	sst s8  }
0x11: {  	[smem:$0x3FAF] =	sst s9;
	s0 =	simm.s32 @!p0 $0x0  }
0x12: {  	s1 =	sld [smem:$0x3F95];
	s0 =	simm.s32 @p0 $0x1  }
0x13: {  	[smem:$0x3FB0] =	sst s0;
	s0 =	simm.s32 @!p1 $0x0  }
0x14: {  	s2 =	sld [smem:$0x3F94];
	s0 =	simm.s32 @p1 $0x1  }
0x15: {  	[smem:$0x3FB1] =	sst s0;
	s0 =	simm.s32 @!p2 $0x0  }
0x16: {  	s3 =	sld [smem:$0x3FDB];
	s0 =	simm.s32 @p2 $0x1  }
0x17: {  	s4 =	simm.s32 $0x1BF5;
	[smem:$0x3FB3] =	sst s0  }
0x18: {  	s0 =	sld [smem:$0x3F96];
	_ =	swait.ge [sflag:s4], $0x0  }
0x19: {  	s7 =	sld [smem:$0x3F97]  }
0x1a: {  	s8 =	sadd.s32 $0xFFFFE003, lr  }
0x1b: {  	s9 =	sadd.s32 $0xFFFFFEF7, lr;
	s5 =	simm.s32 $0xFFFFFFFF;
	p2 =	slt.u32 s8, $0xFFFFF086  }
0x1c: {  	p1 =	slt.u32 s9, $0xF7A;
	s5 =	simm.s32 @!p2 $0x0  }
0x1d: {  	s5 =	simm.s32 @p1 $0x1;
	p0 =	seq.s32 s7, s2  }
0x1e: {  	s7 =	smul.u32 @!p0 $0xF7A, s2;
	p2 =	seq.s32 @!p0 s5, $0x0  }
0x1f: {  	s9 =	smul.u32 $0xF7A, s1;
	s8 =	simm.s32 @!p0 $0x1BF5;
	p2 =	por !p2, p0  }
0x20: {  	[sflag:s8] =	ssyncset.s32 @!p0 $0xFFFFF086;
	s6 =	sadd.s32 @!p0 s3, s7;
	s7 =	simm.s32 @!p0 $0x108  }
0x21: {  	s3 =	sadd.s32 s3, s9;
	s6 =	sadd.s32 @!p0 $0x88, s6;
	s7 =	simm.s32 @p2 $0x1082  }
0x22: {  	[simem:s7], [sflag:s8] =	dma.local @!p0 [hbm:s6], $0xF7A  }
0x23: {  	s9 =	sor.u32 $0xD0000000, s2;
	s6 =	simm.s32 $0x108;
	_ =	swait.ge @!p0 [sflag:s8], $0x0  }
0x24: {  	s3 =	sadd.s32 $0x88, s3;
	s6 =	simm.s32 @!p1 $0x1082;
	[sflag:s4] =	ssyncset.s32 $0xFFFFF086  }
0x25: {  	[simem:s6], [sflag:s4] =	dma.local [hbm:s3], $0xF7A  }
0x26: {  	[smem:$0x3F97] =	sst s1;
	(tag) =	ssettag s2;
	_ =	strace s9  }
0x27: {  	s1 =	sld [smem:$0x3FA7]  }
0x28: {  	s2 =	sld [smem:$0x3FA8]  }
0x29: {  	s4 =	sld [smem:$0x3FAA]  }
0x2a: {  	p0 =	seq.s32 s5, $0x0;
	s5 =	sld [smem:$0x3FAB]  }
0x2b: {  	s6 =	sld [smem:$0x3FAC]  }
0x2c: {  	s7 =	sld [smem:$0x3FAD]  }
0x2d: {  	s3 =	simm.s32 $0x108;
	s8 =	sld [smem:$0x3FAE]  }
0x2e: {  	s3 =	simm.s32 @!p0 $0x1082;
	s9 =	sld [smem:$0x3FAF]  }
0x2f: {  	lr =	sadd.s32 s0, s3;
	s0 =	sld [smem:$0x3FA6]  }
0x30: {  	s3 =	sld [smem:$0x3FA9]  }
0x31: {  	[smem:$0x3FB2] =	sst s10  }
0x32: {  	s10 =	sld [smem:$0x3FB0];
	_ =	sdelay $0x3  }
0x33: {  	p0 =	seq.s32 s10, $0x1;
	s10 =	sld [smem:$0x3FB2];
	_ =	sdelay $0x3  }
0x34: {  	[smem:$0x3FB2] =	sst s10  }
0x35: {  	s10 =	sld [smem:$0x3FB1];
	_ =	sdelay $0x3  }
0x36: {  	p1 =	seq.s32 s10, $0x1;
	s10 =	sld [smem:$0x3FB2];
	_ =	sdelay $0x3  }
0x37: {  	[smem:$0x3FB2] =	sst s10  }
0x38: {  	s10 =	sld [smem:$0x3FB3]  }
0x39: {  	_ = 	snop;
	(pc) =	sbr.ind lr, $3  }
0x3a: {  	_ = 	snop  }
0x3b: {  	_ = 	snop  }
0x3c: {  	p2 =	seq.s32 s10, $0x1;
	s10 =	sld [smem:$0x3FB2]  }
0x3d: {  	_ =	shalt  }
0x3e: {  	_ =	shalt  }
0x3f: {  	_ =	shalt  }
0x40: {  	_ =	shalt  }
0x41: {  	_ =	shalt  }
0x42: {  	_ =	shalt  }
0x43: {  	_ =	shalt  }
0x44: {  	_ =	shalt  }
0x45: {  	_ =	shalt  }
0x46: {  	_ =	shalt  }
0x47: {  	_ =	shalt  }
0x48: {  	_ =	shalt  }
0x49: {  	_ =	shalt  }
0x4a: {  	_ =	shalt  }
0x4b: {  	_ =	shalt  }
0x4c: {  	_ =	shalt  }
0x4d: {  	_ =	shalt  }
0x4e: {  	_ =	shalt  }
0x4f: {  	_ =	shalt  }
0x50: {  	_ =	shalt  }
0x51: {  	_ =	shalt  }
0x52: {  	_ =	shalt  }
0x53: {  	_ =	shalt  }
0x54: {  	_ =	shalt  }
0x55: {  	_ =	shalt  }
0x56: {  	_ =	shalt  }
0x57: {  	_ =	shalt  }
0x58: {  	_ =	shalt  }
0x59: {  	_ =	shalt  }
0x5a: {  	_ =	shalt  }
0x5b: {  	_ =	shalt  }
0x5c: {  	_ =	shalt  }
0x5d: {  	_ =	shalt  }
0x5e: {  	_ =	shalt  }
0x5f: {  	_ =	shalt  }
0x60: {  	_ =	shalt  }
0x61: {  	_ =	shalt  }
0x62: {  	_ =	shalt  }
0x63: {  	_ =	shalt  }
0x64: {  	_ =	shalt  }
0x65: {  	_ =	shalt  }
0x66: {  	_ =	shalt  }
0x67: {  	_ =	shalt  }
0x68: {  	_ =	shalt  }
0x69: {  	_ =	shalt  }
0x6a: {  	_ =	shalt  }
0x6b: {  	_ =	shalt  }
0x6c: {  	_ =	shalt  }
0x6d: {  	_ =	shalt  }
0x6e: {  	_ =	shalt  }
0x6f: {  	_ =	shalt  }
0x70: {  	_ =	shalt  }
0x71: {  	_ =	shalt  }
0x72: {  	_ =	shalt  }
0x73: {  	_ =	shalt  }
0x74: {  	_ =	shalt  }
0x75: {  	_ =	shalt  }
0x76: {  	_ =	shalt  }
0x77: {  	_ =	shalt  }
0x78: {  	_ =	shalt  }
0x79: {  	_ =	shalt  }
0x7a: {  	_ =	shalt  }
0x7b: {  	_ =	shalt  }
0x7c: {  	_ =	shalt  }
0x7d: {  	_ =	shalt  }
0x7e: {  	_ =	shalt  }
0x7f: {  	_ =	shalt  }
0x80: {  	_ =	shalt  }
0x81: {  	_ =	shalt  }
0x82: {  	_ =	shalt  }
0x83: {  	_ =	shalt  }
0x84: {  	_ =	shalt  }
0x85: {  	_ =	shalt  }
0x86: {  	_ =	shalt  }
0x87: {  	_ =	shalt  }
.Lfunc_end0:
.L_simem_size_0:
called_computation.1_lowered:
.L_overlay_start_0:
0x88: {  	s2 =	sld [smem:$0x3FD9]  }
0x89: {  	s3 =	sld [smem:$0x3FFE];
	_ =	sdelay $0x1  }
0x8a: {  	s1 =	srdreg.scid  }
0x8b: {  	s0 =	sand.u32 $0x1, s1  }
0x8c: {  	s16 =	sshll.u32 s0, $0xA;
	s2 =	sadd.s32 s3, s2  }
0x8d: {  	s2 =	sadd.s32 s2, s16  }
0x8e: {  	[smem:$0x3FBE] =	sst s2  }
0x8f: {  	_ = 	snop  }
0x90: {  	(tm) =	ssettm $0x1  }
0x91: {  	s17 =	sld [smem:$0x3FFB];
	_ =	sdelay $0x3  }
0x92: {  	_ =	strace s17  }
0x93: {  	s2 =	sld [smem:$0x3FFC];
	_ =	sdelay $0x3  }
0x94: {  	_ =	strace s2  }
0x95: {  	s2 =	sld [smem:$0x3FFD];
	_ =	sdelay $0x3  }
0x96: {  	_ =	strace s2  }
0x97: {  	_ =	strace $0x8FFFFFFF  }
0x98: {  	s18 =	sld [smem:$0x3FDB];
	_ =	sdelay $0x1  }
0x99: {  	s19 =	simm.s32 $_scs_section_size  }
0x9a: {  	s4 =	simm.s32 $_size__tile_overlayer_lowered;
	s5 =	simm.s32 $_tile_overlayer_lowered  }
0x9b: {  	s22 =	simm.s32 $0x1BFF;
	s21 =	sshll.u32 s5, $0x1;
	s2 =	sadd.s32 s19, s18  }
0x9c: {  	s6 =	simm.s32 $0x0;
	s20 =	sshll.u32 s4, $0x1;
	s4 =	sadd.s32 s21, s2  }
0x9d: {  	[timem:s6], [sflag:s22] =	dma.local [hbm:s4], s20  }
0x9e: {  	_ =	swait.ge [sflag:s22], s20  }
0x9f: {  	s3 =	ssub.s32 $0x0, s20;
	[sflag:s22] =	ssyncset.done $0x0  }
0xa0: {  	[sflag:s22] =	ssyncadd.s32 s3;
	_ =	sdelay $0x1  }
0xa1: {  	s23 =	simm.s32 $0x1B8B  }
0xa2: {  	_ =	swait.ge [sflag:s23], $0x1  }
0xa3: {  	[sflag:s23] =	ssyncset.done $0x0  }
0xa4: {  	s25 =	simm.s32 $0x1B8E;
	s24 =	sld [smem:$0x3FFE];
	[sflag:s23] =	ssyncadd.s32 $0xFFFFFFFF  }
0xa5: {  	s26 =	simm.s32 $execute0_lowered;
	[smem:$0x3FD2] =	sst s25  }
0xa6: {  	s4 =	sshll.u32 s26, $0x1;
	_ =	strace $0x80000049;
	[dreg:$0x1] =	wrdreg $0xFFFFFFFF  }
0xa7: {  	s28 =	simm.s32 $_size_execute0_lowered;
	s2 =	sadd.s32 s2, s4;
	[dreg:$0x0] =	wrdreg $0x0  }
0xa8: {  	s4 =	sshll.u32 s28, $0x1;
	[dreg:$0x2] =	wrdreg s2  }
0xa9: {  	[dreg:$0x3] =	wrdreg s4  }
0xaa: {  	[dreg:$0x4] =	wrdreg $0xC0  }
0xab: {  	_ =	task [dreg:s6], $0x5FFFF  }
0xac: {  	[dreg:$0x1] =	wrdreg $0xFFFFFFFF  }
0xad: {  	[dreg:$0x0] =	wrdreg $0x60  }
0xae: {  	[dreg:$0x2] =	wrdreg s24  }
0xaf: {  	[dreg:$0x3] =	wrdreg $0x9  }
0xb0: {  	_ =	task.clear_ibuf [dreg:s6], $0x4FFFF;
	_ =	strace $0x90000049  }
0xb1: {  	s29 =	simm.s32 $0x9;
	_ =	strace $0x8000004B  }
0xb2: {  	_ =	swait.ge [sflag:s29], $0x1  }
0xb3: {  	[sflag:s29] =	ssyncadd.s32 $0xFFFFFFFF  }
0xb4: {  	_ =	strace $0x9000004B  }
0xb5: {  	_ =	sfence  }
0xb6: {  	s30 =	sld [smem:$0x0];
	_ =	sdelay $0x2  }
0xb7: {  	s31 =	sshll.u32 s1, $0xD;
	s1 =	sshrl.u32 s1, $0x2  }
0xb8: {  	s3 =	sand.u32 $0x4000, s31;
	s1 =	sadd.s32 s1, s30  }
0xb9: {  	s0 =	sor.u32 s3, s0;
	s1 =	sshll.u32 s1, $0x11  }
0xba: {  	s0 =	sor.u32 s1, s0  }
0xbb: {  	s0 =	sadd.s32 $0x8F2B, s0  }
0xbc: {  	[sflag:s0] =	ssyncadd.remote.s32 $0x1  }
0xbd: {  	_ =	sfence.sel $0xFFFF  }
0xbe: {  	[dreg:$0x0] =	wrdreg $0xFFFFFFFF;
	(pc) =	sbr.abs _section_cstart, $3  }
0xbf: {  	[dreg:$0x1] =	wrdreg $0xFFFFFFFF  }
0xc0: {  	_ =	task.clear_ibuf [dreg:s6], $0x2FFFF;
	_ =	strace $0x9FFFFFFF  }
0xc1: {  	(tm) =	ssettm $0x7FFFFFFF  }
tec
execute0_lowered:
.L_overlay_start_1:
0x0: {  	(tag) =	ssettag $0x1  }
0x1: {  	s1 =	srdreg.scid  }
0x2: {  	s0 =	stileid.u32;
	s6 =	rddreg [dreg:$0x0]  }
0x3: {  	s5 =	simm.s32 $0x2;
	s10 =	simm.s32 $0x3;
	s1 =	sshll.u32 s1, $0xC  }
0x4: {  	s12 =	simm.s32 $0x0;
	s2 =	sshll.u32 s0, $0xD;
	s3 =	sand.u32 $0x1000, s1  }
0x5: {  	s11 =	simm.s32 $0x0;
	s1 =	rddreg [dreg:$0x1];
	s2 =	sor.u32 s2, s3  }
0x6: {  	_ =	strace $0x8000004A;
	s3 =	sadd.s32 $0x70000, s6;
	s4 =	sshrl.u32 s2, $0x3  }
0x7: {  	s7 =	ssub.s32 $0x20000, s2;
	s8 =	sadd.s32 s4, s6;
	s4 =	simm.s32 $0x1  }
.Ltmp0:
0x8: {  	s9 =	sand.u32 $0x1F000, s7;
	s7 =	sshrl.u32 s7, $0x11;
	(pc) =	sbr.rel .LBB2_1-.Ltmp0, $4  }
0x9: {  	s6 =	sadd.s32 $0x24000, s6;
	p0 =	sne.s32 s9, $0x0;
	s9 =	simm.s32 $0x1  }
0xa: {  	[sflag:s4] =	ssyncpa.u1 $0x0;
	s8 =	sadd.s32 $0x20000, s8;
	s9 =	simm.s32 @!p0 $0x0  }
0xb: {  	[sflag:s5] =	ssyncpa.u1 $0x0;
	p0 =	por $0x0, $0x0;
	s7 =	sadd.s32 s9, s7  }
0xc: {  	vm0 =	vmmov $0xffff;
	v0 =	vimm.s32 $0x0;
	[sflag:s10] =	ssyncpa.u1 $0x0;
	s10 =	simm.s32 $0x0;
	s9 =	sadd.s32 $0x1, s7  }
.LBB2_4:
0xd: {  	_ =	sdelay $0x3  }
0xe: {  	[tilespmem:s20], [sflag:$0x1] =	stream.indirect_vreg.gather [hbm4b:s3+s10], $0x1, v1, vm0, $0x4038;
	[tilespmem:$0xA000] =	vst v63  }
0xf: {  	s14 =	sadd.s32 s17, s14  }
0x10: {  	v1 =	vld.msk [tilespmem:s14+$0x0 ss:$0x1], $0xffff;
	_ =	sdelay $0x4  }
0x11: {  	v2 =	vshrl.u32 v1, $0x1;
	v3 =	vand.u32 $0x1, v1  }
0x12: {  	v4 =	vshll.u32 v1, $0x1;
	vm1 =	veq.s32 v1, $0x80000000;
	vm2 =	veq.s32 v3, $0x1  }
0x13: {  	v1 =	vand.u32 $0x3FF, v2;
	v3 =	vand.u32 $0x7C0000, v4;
	v2 =	vsel vm2, $0x500000, v0  }
0x14: {  	v1 =	vsel vm1, $0xFFFFFFFF, v1;
	v2 =	vadd.s32 v3, v2;
	v3 =	vand.u32 $0x3F000, v4  }
0x15: {  	v63 =	vshll.u32 v1, $0x2;
	v2 =	vor.u32 v3, v2  }
0x16: {  	v3 =	vand.u32 $0xFFFFFE00, v63;
	v2 =	vsel vm1, $0xFFABF000, v2  }
0x17: {  	v1 =	vand.u32 $0x7F, v1;
	v2 =	vadd.s32 v3, v2  }
0x18: {  	v1 =	vor.u32 v1, v2;
	_ =	sdelay $0x1  }
0x19: {  	s28 =	sand.u32 $0x3E00, s16  }
0x1a: {  	s15 =	sand.u32 $0x70, s15;
	(ifvalue) =	ssetifvalue $0x7FFFFFFF;
	s14 =	sadd.s32 s28, s13;
	v2 =	vor.u32 $0x80, v1  }
0x1b: {  	s14 =	sadd.s32 s15, s14;
	(ifvalue) =	ssetifvalue $0x7FFFFFFF  }
0x1c: {  	[tilespmem:s14], [sflag:$0x1] =	stream.indirect_vreg.gather [hbm4b:s3+s10], $0x1, v1, vm0, $0x4038;
	[tilespmem:$0xA000] =	vst v63  }
0x1d: {  	v3 =	vor.u32 $0x100, v1;
	(ifvalue) =	ssetifvalue $0x7FFFFFFF  }
0x1e: {  	s15 =	sadd.s32 $0x80, s14;
	(ifvalue) =	ssetifvalue $0x7FFFFFFF  }
0x1f: {  	[tilespmem:s15], [sflag:$0x1] =	stream.indirect_vreg.gather [hbm4b:s3+s10], $0x1, v2, vm0, $0x4038;
	[tilespmem:$0xA000] =	vst v63  }
0x20: {  	v1 =	vor.u32 $0x180, v1;
	(ifvalue) =	ssetifvalue $0x7FFFFFFF  }
0x21: {  	s29 =	sadd.s32 $0x100, s14;
	(ifvalue) =	ssetifvalue $0x7FFFFFFF  }
0x22: {  	[tilespmem:s29], [sflag:$0x1] =	stream.indirect_vreg.gather [hbm4b:s3+s10], $0x1, v3, vm0, $0x4038;
	[tilespmem:$0xA000] =	vst v63  }
0x23: {  	(ifvalue) =	ssetifvalue $0x7FFFFFFF  }
0x24: {  	s30 =	sshll.u32 s12, $0x2;
	s14 =	sadd.s32 $0x180, s14;
	(ifvalue) =	ssetifvalue $0x7FFFFFFF  }
0x25: {  	[tilespmem:s14], [sflag:$0x1] =	stream.indirect_vreg.gather [hbm4b:s3+s10], $0x1, v1, vm0, $0x4038;
	[tilespmem:$0xA000] =	vst v63  }
0x26: {  	s31 =	sand.u32 $0x78, s12;
	s14 =	sand.u32 $0x7FFFFE00, s30  }
0x27: {  	_ =	swait.ge [sflag:s4], $0x4000;
	s12 =	sor.u32 s31, s14  }
0x28: {  	[sflag:s4] =	ssyncset.done $0x0;
	s12 =	sshrl.u32 s12, $0x3  }
0x29: {  	[sflag:s4] =	ssyncadd.s32 $0xFFFFC000;
	s12 =	sadd.s32 s6, s12  }
0x2a: {  	[hbm:s12] =	stream.linear.scatter [tilespmem:s13], [sflag:$0x3], $0x4000, $0x38;
	[tilespmem:$0xA000] =	vst v63  }
.LBB2_5:
0x2b: {  	p2 =	sne.s32 s11, s9  }
.Ltmp1:
0x2c: {  	p1 =	slt.u32 s11, $0x2;
	(pc) =	sbr.rel @!p2 .LBB2_6-.Ltmp1, $4  }
0x2d: {  	s12 =	simm.s32 @!p1 $0x3  }
0x2e: {  	_ =	swait.ge @!p1 [sflag:s12], $0x4000  }
0x2f: {  	s13 =	sadd.s32 $0x1, s11;
	p0 =	por !p0, !p0;
	[sflag:s12] =	ssyncset.done @!p1 $0x0  }
0x30: {  	s11 =	smov.u32 s13;
	[sflag:s12] =	ssyncadd.s32 @!p1 $0xFFFFC000;
	s12 =	smov.u32 s2  }
.LBB2_1:
0x31: {  	p1 =	sge.u32 s11, s7  }
0x32: {  	s13 =	sxor.u32 @!p1 $0xFFFFFFFF, s11  }
0x33: {  	s13 =	sshll.u32 @!p1 s13, $0xC  }
0x34: {  	s31 =	sadd.s32 $0xFFFFFFFF, s11;
	s14 =	simm.s32 @!p1 $0x0;
	s13 =	sand.u32 @!p1 $0x1000, s13  }
0x35: {  	[tilespmem:s13], [sflag:$0x2] =	stream.linear.gather @!p1 [hbm4b:s8+s14], $0x1000, $0x38;
	[tilespmem:$0xA000] =	vst v63  }
0x36: {  	p1 =	sge.u32 s31, s7  }
.Ltmp2:
0x37: {  	_ = 	snop;
	(pc) =	sbr.rel @p1 .LBB2_5-.Ltmp2, $1  }
0x38: {  	_ =	sdelay $0x3  }
0x39: {  	s13 =	simm.s32 $0x1  }
0x3a: {  	_ =	swait.ge [sflag:s5], $0x1000;
	s13 =	simm.s32 @!p0 $0x0  }
0x3b: {  	[sflag:s5] =	ssyncset.done $0x0;
	s14 =	sshll.u32 s13, $0xC  }
0x3c: {  	[sflag:s5] =	ssyncadd.s32 $0xFFFFF000;
	s13 =	sadd.s32 $0x0, s14  }
0x3d: {  	v1 =	vld.msk [tilespmem:s13+$0x0 ss:$0x1], $0xffff;
	_ =	sdelay $0x4  }
0x3e: {  	v2 =	vshrl.u32 v1, $0x1;
	v3 =	vand.u32 $0x1, v1  }
0x3f: {  	v4 =	vshll.u32 v1, $0x1;
	vm1 =	veq.s32 v1, $0x80000000;
	vm2 =	veq.s32 v3, $0x1  }
0x40: {  	v1 =	vand.u32 $0x3FF, v2;
	v3 =	vand.u32 $0x7C0000, v4;
	v2 =	vsel vm2, $0x500000, v0  }
0x41: {  	v1 =	vsel vm1, $0xFFFFFFFF, v1;
	v2 =	vadd.s32 v3, v2;
	v3 =	vand.u32 $0x3F000, v4  }
0x42: {  	v63 =	vshll.u32 v1, $0x2;
	v2 =	vor.u32 v3, v2  }
0x43: {  	v3 =	vand.u32 $0xFFFFFE00, v63;
	v2 =	vsel vm1, $0xFFABF000, v2  }
0x44: {  	v1 =	vand.u32 $0x7F, v1;
	v2 =	vadd.s32 v3, v2  }
0x45: {  	s31 =	sshll.u32 s11, $0xE;
	v1 =	vor.u32 v1, v2  }
0x46: {  	s15 =	simm.s32 $0x0;
	s13 =	sand.u32 $0x4000, s31  }
0x47: {  	s16 =	sand.u32 $0x3E00, s15;
	s13 =	sor.u32 $0x2000, s13  }
0x48: {  	s15 =	sand.u32 $0x70, s15;
	(ifvalue) =	ssetifvalue $0x7FFFFFFF;
	s16 =	sadd.s32 s16, s13;
	v2 =	vor.u32 $0x80, v1  }
0x49: {  	(ifvalue) =	ssetifvalue $0x7FFFFFFF;
	s20 =	sadd.s32 s15, s16  }
0x4a: {  	[tilespmem:s20], [sflag:$0x1] =	stream.indirect_vreg.gather [hbm4b:s3+s10], $0x1, v1, vm0, $0x4038;
	[tilespmem:$0xA000] =	vst v63  }
0x4b: {  	v3 =	vor.u32 $0x100, v1;
	(ifvalue) =	ssetifvalue $0x7FFFFFFF  }
0x4c: {  	s15 =	sadd.s32 $0x80, s20;
	(ifvalue) =	ssetifvalue $0x7FFFFFFF  }
0x4d: {  	[tilespmem:s15], [sflag:$0x1] =	stream.indirect_vreg.gather [hbm4b:s3+s10], $0x1, v2, vm0, $0x4038;
	[tilespmem:$0xA000] =	vst v63  }
0x4e: {  	s18 =	simm.s32 $0x20;
	v1 =	vor.u32 $0x180, v1;
	(ifvalue) =	ssetifvalue $0x7FFFFFFF  }
0x4f: {  	s19 =	simm.s32 $0x80;
	s17 =	sadd.s32 $0x100, s20;
	(ifvalue) =	ssetifvalue $0x7FFFFFFF  }
0x50: {  	[tilespmem:s17], [sflag:$0x1] =	stream.indirect_vreg.gather [hbm4b:s3+s10], $0x1, v3, vm0, $0x4038;
	[tilespmem:$0xA000] =	vst v63  }
0x51: {  	s16 =	simm.s32 $0x40;
	s20 =	sadd.s32 $0x180, s20;
	(ifvalue) =	ssetifvalue $0x7FFFFFFF  }
0x52: {  	s15 =	simm.s32 $0x10;
	s17 =	simm.s32 $0x10;
	(ifvalue) =	ssetifvalue $0x7FFFFFFF  }
.LBB2_3:
0x53: {  	[tilespmem:s20], [sflag:$0x1] =	stream.indirect_vreg.gather [hbm4b:s3+s10], $0x1, v1, vm0, $0x4038;
	[tilespmem:$0xA000] =	vst v63  }
0x54: {  	p1 =	sne.s32 s18, $0xFF0;
	s20 =	sadd.s32 s17, s14;
	s17 =	sshra.s32 s19, $0x2  }
0x55: {  	v1 =	vld.msk [tilespmem:s20+$0x0 ss:$0x1], $0xffff;
	s20 =	smov.u32 s18;
	s18 =	sadd.s32 $0x10, s18  }
0x56: {  	(ifvalue) =	ssetifvalue $0x7FFFFFFF;
	_ =	sdelay $0x4  }
0x57: {  	v2 =	vshrl.u32 v1, $0x1;
	v3 =	vand.u32 $0x1, v1;
	v4 =	vshll.u32 v1, $0x1  }
0x58: {  	vm1 =	veq.s32 v1, $0x80000000;
	v1 =	vand.u32 $0x3FF, v2;
	vm2 =	veq.s32 v3, $0x1  }
0x59: {  	v3 =	vand.u32 $0x7C0000, v4;
	v1 =	vsel vm1, $0xFFFFFFFF, v1;
	v2 =	vsel vm2, $0x500000, v0  }
0x5a: {  	v2 =	vadd.s32 v3, v2;
	v3 =	vand.u32 $0x3F000, v4;
	v4 =	vshll.u32 v1, $0x2  }
0x5b: {  	v2 =	vor.u32 v3, v2  }
0x5c: {  	v3 =	vand.u32 $0xFFFFFE00, v4;
	v2 =	vsel vm1, $0xFFABF000, v2  }
0x5d: {  	v1 =	vand.u32 $0x7F, v1;
	v2 =	vadd.s32 v3, v2  }
0x5e: {  	v1 =	vor.u32 v1, v2;
	_ =	sdelay $0x1  }
0x5f: {  	s21 =	sand.u32 $0x3E00, s16;
	s16 =	smov.u32 s19  }
0x60: {  	s22 =	sand.u32 $0x70, s15;
	s21 =	sadd.s32 s21, s13;
	s15 =	smov.u32 s20;
	v2 =	vor.u32 $0x80, v1  }
0x61: {  	s20 =	sadd.s32 s22, s21;
	(ifvalue) =	ssetifvalue $0x7FFFFFFF  }
0x62: {  	[tilespmem:s20], [sflag:$0x1] =	stream.indirect_vreg.gather [hbm4b:s3+s10], $0x1, v1, vm0, $0x4038;
	[tilespmem:$0xA000] =	vst v63  }
0x63: {  	v3 =	vor.u32 $0x100, v1;
	(ifvalue) =	ssetifvalue $0x7FFFFFFF  }
0x64: {  	s21 =	sadd.s32 $0x80, s20;
	(ifvalue) =	ssetifvalue $0x7FFFFFFF  }
0x65: {  	[tilespmem:s21], [sflag:$0x1] =	stream.indirect_vreg.gather [hbm4b:s3+s10], $0x1, v2, vm0, $0x4038;
	[tilespmem:$0xA000] =	vst v63  }
.Ltmp3:
0x66: {  	v1 =	vor.u32 $0x180, v1;
	(ifvalue) =	ssetifvalue $0x7FFFFFFF;
	(pc) =	sbr.rel @p1 .LBB2_3-.Ltmp3, $4  }
0x67: {  	s21 =	sadd.s32 $0x100, s20;
	(ifvalue) =	ssetifvalue $0x7FFFFFFF  }
0x68: {  	[tilespmem:s21], [sflag:$0x1] =	stream.indirect_vreg.gather [hbm4b:s3+s10], $0x1, v3, vm0, $0x4038;
	[tilespmem:$0xA000] =	vst v63  }
0x69: {  	(ifvalue) =	ssetifvalue $0x7FFFFFFF  }
0x6a: {  	s19 =	sadd.s32 $0x40, s19;
	s20 =	sadd.s32 $0x180, s20;
	(ifvalue) =	ssetifvalue $0x7FFFFFFF  }
.Ltmp4:
0x6b: {  	_ = 	snop;
	(pc) =	sbr.rel .LBB2_4-.Ltmp4, $1  }
0x6c: {  	_ =	sdelay $0x3  }
.LBB2_6:
0x6d: {  	_ =	sfence.sel $0x180000  }
0x6e: {  	s2 =	simm.s32 $0x2;
	[bflag:$0x0] =	sbarrier.arrive $0xFFFF  }
0x6f: {  	s30 =	simm.s32 $0x3;
	[sflag:s2] =	ssyncpa.u1 $0x1  }
0x70: {  	s31 =	simm.s32 $0x1;
	[sflag:s30] =	ssyncpa.u1 $0x1  }
0x71: {  	[sflag:s31] =	ssyncpa.u1 $0x1  }
0x72: {  	p0 =	sne.s32 s0, $0x0;
	_ =	strace $0x9000004A  }
0x73: {  	s0 =	sadd.s32 @!p0 $0x100000, s1;
	[bflag:$0x2] =	sbarrier.arrive $0xFFFF  }
0x74: {  	[sflag:s0] =	ssyncadd.tile.s32 @!p0 $0x1;
	_ =	shalt  }
.Lfunc_end2:
_tile_overlayer_lowered:
.L_overlay_start_2:
0x75: {  	(tag) =	ssettag $0x2  }
0x76: {  	s0 =	rddreg [dreg:$0x0];
	s2 =	stileid.u32  }
0x77: {  	s1 =	rddreg [dreg:$0x1];
	p0 =	sne.s32 s2, $0x0  }
0x78: {  	s3 =	rddreg [dreg:$0x2];
	[bflag:$0x3] =	sbarrier.arrive $0xFFFF;
	s2 =	simm.s32 @!p0 $0x1C01  }
0x79: {  	[timem:s3], [sflag:s2] =	dma.local @!p0 [hbm:s0], s1  }
0x7a: {  	s0 =	simm.s32 @!p0 $0x1  }
0x7b: {  	_ =	swait.ge @!p0 [sflag:s0], s1  }
0x7c: {  	s1 =	ssub.s32 @!p0 $0x0, s1;
	[sflag:s0] =	ssyncset.done @!p0 $0x0  }
0x7d: {  	[sflag:s0] =	ssyncadd.s32 @!p0 s1  }
0x7e: {  	[bflag:$0x3] =	sbarrier.arrive $0xFFFF  }
0x7f: {  	_ =	shalt  }

// kernel: gather_offload_async_start.2
scs
__scs_entry_jumppad:
0x0: {  	(pc) =	sbr.rel $0x88, $3  }
0x1: {  	(tag) =	ssettag $0x0;
	lr =	simm.s32 $0x1  }
0x2: {  	[smem:$0x3F97] =	sst lr;
	_ =	strace $0xD0000000  }
0x3: {  	_ = 	snop  }
0x4: {  	_ = 	snop  }
0x5: {  	_ = 	snop  }
0x6: {  	_ = 	snop  }
0x7: {  	_ = 	snop  }
__scs_overlays_trampoline_lowered:
0x8: {  	[smem:$0x3FA6] =	sst s0  }
0x9: {  	[smem:$0x3FA7] =	sst s1  }
0xa: {  	[smem:$0x3FA8] =	sst s2  }
0xb: {  	[smem:$0x3FA9] =	sst s3  }
0xc: {  	[smem:$0x3FAA] =	sst s4  }
0xd: {  	[smem:$0x3FAB] =	sst s5  }
0xe: {  	[smem:$0x3FAC] =	sst s6  }
0xf: {  	[smem:$0x3FAD] =	sst s7  }
0x10: {  	[smem:$0x3FAE] =	sst s8  }
0x11: {  	[smem:$0x3FAF] =	sst s9;
	s0 =	simm.s32 @!p0 $0x0  }
0x12: {  	s1 =	sld [smem:$0x3F95];
	s0 =	simm.s32 @p0 $0x1  }
0x13: {  	[smem:$0x3FB0] =	sst s0;
	s0 =	simm.s32 @!p1 $0x0  }
0x14: {  	s2 =	sld [smem:$0x3F94];
	s0 =	simm.s32 @p1 $0x1  }
0x15: {  	[smem:$0x3FB1] =	sst s0;
	s0 =	simm.s32 @!p2 $0x0  }
0x16: {  	s3 =	sld [smem:$0x3FDB];
	s0 =	simm.s32 @p2 $0x1  }
0x17: {  	s4 =	simm.s32 $0x1BF5;
	[smem:$0x3FB3] =	sst s0  }
0x18: {  	s0 =	sld [smem:$0x3F96];
	_ =	swait.ge [sflag:s4], $0x0  }
0x19: {  	s7 =	sld [smem:$0x3F97]  }
0x1a: {  	s8 =	sadd.s32 $0xFFFFE003, lr  }
0x1b: {  	s9 =	sadd.s32 $0xFFFFFEF7, lr;
	s5 =	simm.s32 $0xFFFFFFFF;
	p2 =	slt.u32 s8, $0xFFFFF086  }
0x1c: {  	p1 =	slt.u32 s9, $0xF7A;
	s5 =	simm.s32 @!p2 $0x0  }
0x1d: {  	s5 =	simm.s32 @p1 $0x1;
	p0 =	seq.s32 s7, s2  }
0x1e: {  	s7 =	smul.u32 @!p0 $0xF7A, s2;
	p2 =	seq.s32 @!p0 s5, $0x0  }
0x1f: {  	s9 =	smul.u32 $0xF7A, s1;
	s8 =	simm.s32 @!p0 $0x1BF5;
	p2 =	por !p2, p0  }
0x20: {  	[sflag:s8] =	ssyncset.s32 @!p0 $0xFFFFF086;
	s6 =	sadd.s32 @!p0 s3, s7;
	s7 =	simm.s32 @!p0 $0x108  }
0x21: {  	s3 =	sadd.s32 s3, s9;
	s6 =	sadd.s32 @!p0 $0x88, s6;
	s7 =	simm.s32 @p2 $0x1082  }
0x22: {  	[simem:s7], [sflag:s8] =	dma.local @!p0 [hbm:s6], $0xF7A  }
0x23: {  	s9 =	sor.u32 $0xD0000000, s2;
	s6 =	simm.s32 $0x108;
	_ =	swait.ge @!p0 [sflag:s8], $0x0  }
0x24: {  	s3 =	sadd.s32 $0x88, s3;
	s6 =	simm.s32 @!p1 $0x1082;
	[sflag:s4] =	ssyncset.s32 $0xFFFFF086  }
0x25: {  	[simem:s6], [sflag:s4] =	dma.local [hbm:s3], $0xF7A  }
0x26: {  	[smem:$0x3F97] =	sst s1;
	(tag) =	ssettag s2;
	_ =	strace s9  }
0x27: {  	s1 =	sld [smem:$0x3FA7]  }
0x28: {  	s2 =	sld [smem:$0x3FA8]  }
0x29: {  	s4 =	sld [smem:$0x3FAA]  }
0x2a: {  	p0 =	seq.s32 s5, $0x0;
	s5 =	sld [smem:$0x3FAB]  }
0x2b: {  	s6 =	sld [smem:$0x3FAC]  }
0x2c: {  	s7 =	sld [smem:$0x3FAD]  }
0x2d: {  	s3 =	simm.s32 $0x108;
	s8 =	sld [smem:$0x3FAE]  }
0x2e: {  	s3 =	simm.s32 @!p0 $0x1082;
	s9 =	sld [smem:$0x3FAF]  }
0x2f: {  	lr =	sadd.s32 s0, s3;
	s0 =	sld [smem:$0x3FA6]  }
0x30: {  	s3 =	sld [smem:$0x3FA9]  }
0x31: {  	[smem:$0x3FB2] =	sst s10  }
0x32: {  	s10 =	sld [smem:$0x3FB0];
	_ =	sdelay $0x3  }
0x33: {  	p0 =	seq.s32 s10, $0x1;
	s10 =	sld [smem:$0x3FB2];
	_ =	sdelay $0x3  }
0x34: {  	[smem:$0x3FB2] =	sst s10  }
0x35: {  	s10 =	sld [smem:$0x3FB1];
	_ =	sdelay $0x3  }
0x36: {  	p1 =	seq.s32 s10, $0x1;
	s10 =	sld [smem:$0x3FB2];
	_ =	sdelay $0x3  }
0x37: {  	[smem:$0x3FB2] =	sst s10  }
0x38: {  	s10 =	sld [smem:$0x3FB3]  }
0x39: {  	_ = 	snop;
	(pc) =	sbr.ind lr, $3  }
0x3a: {  	_ = 	snop  }
0x3b: {  	_ = 	snop  }
0x3c: {  	p2 =	seq.s32 s10, $0x1;
	s10 =	sld [smem:$0x3FB2]  }
0x3d: {  	_ =	shalt  }
0x3e: {  	_ =	shalt  }
0x3f: {  	_ =	shalt  }
0x40: {  	_ =	shalt  }
0x41: {  	_ =	shalt  }
0x42: {  	_ =	shalt  }
0x43: {  	_ =	shalt  }
0x44: {  	_ =	shalt  }
0x45: {  	_ =	shalt  }
0x46: {  	_ =	shalt  }
0x47: {  	_ =	shalt  }
0x48: {  	_ =	shalt  }
0x49: {  	_ =	shalt  }
0x4a: {  	_ =	shalt  }
0x4b: {  	_ =	shalt  }
0x4c: {  	_ =	shalt  }
0x4d: {  	_ =	shalt  }
0x4e: {  	_ =	shalt  }
0x4f: {  	_ =	shalt  }
0x50: {  	_ =	shalt  }
0x51: {  	_ =	shalt  }
0x52: {  	_ =	shalt  }
0x53: {  	_ =	shalt  }
0x54: {  	_ =	shalt  }
0x55: {  	_ =	shalt  }
0x56: {  	_ =	shalt  }
0x57: {  	_ =	shalt  }
0x58: {  	_ =	shalt  }
0x59: {  	_ =	shalt  }
0x5a: {  	_ =	shalt  }
0x5b: {  	_ =	shalt  }
0x5c: {  	_ =	shalt  }
0x5d: {  	_ =	shalt  }
0x5e: {  	_ =	shalt  }
0x5f: {  	_ =	shalt  }
0x60: {  	_ =	shalt  }
0x61: {  	_ =	shalt  }
0x62: {  	_ =	shalt  }
0x63: {  	_ =	shalt  }
0x64: {  	_ =	shalt  }
0x65: {  	_ =	shalt  }
0x66: {  	_ =	shalt  }
0x67: {  	_ =	shalt  }
0x68: {  	_ =	shalt  }
0x69: {  	_ =	shalt  }
0x6a: {  	_ =	shalt  }
0x6b: {  	_ =	shalt  }
0x6c: {  	_ =	shalt  }
0x6d: {  	_ =	shalt  }
0x6e: {  	_ =	shalt  }
0x6f: {  	_ =	shalt  }
0x70: {  	_ =	shalt  }
0x71: {  	_ =	shalt  }
0x72: {  	_ =	shalt  }
0x73: {  	_ =	shalt  }
0x74: {  	_ =	shalt  }
0x75: {  	_ =	shalt  }
0x76: {  	_ =	shalt  }
0x77: {  	_ =	shalt  }
0x78: {  	_ =	shalt  }
0x79: {  	_ =	shalt  }
0x7a: {  	_ =	shalt  }
0x7b: {  	_ =	shalt  }
0x7c: {  	_ =	shalt  }
0x7d: {  	_ =	shalt  }
0x7e: {  	_ =	shalt  }
0x7f: {  	_ =	shalt  }
0x80: {  	_ =	shalt  }
0x81: {  	_ =	shalt  }
0x82: {  	_ =	shalt  }
0x83: {  	_ =	shalt  }
0x84: {  	_ =	shalt  }
0x85: {  	_ =	shalt  }
0x86: {  	_ =	shalt  }
0x87: {  	_ =	shalt  }
.Lfunc_end0:
.L_simem_size_0:
called_computation.2_lowered:
.L_overlay_start_0:
0x88: {  	s2 =	sld [smem:$0x3FD9]  }
0x89: {  	s3 =	sld [smem:$0x3FFE];
	_ =	sdelay $0x1  }
0x8a: {  	s1 =	srdreg.scid  }
0x8b: {  	s0 =	sand.u32 $0x1, s1  }
0x8c: {  	s16 =	sshll.u32 s0, $0xA;
	s2 =	sadd.s32 s3, s2  }
0x8d: {  	s2 =	sadd.s32 s2, s16  }
0x8e: {  	[smem:$0x3FBE] =	sst s2  }
0x8f: {  	_ = 	snop  }
0x90: {  	(tm) =	ssettm $0x1  }
0x91: {  	s17 =	sld [smem:$0x3FFB];
	_ =	sdelay $0x3  }
0x92: {  	_ =	strace s17  }
0x93: {  	s2 =	sld [smem:$0x3FFC];
	_ =	sdelay $0x3  }
0x94: {  	_ =	strace s2  }
0x95: {  	s2 =	sld [smem:$0x3FFD];
	_ =	sdelay $0x3  }
0x96: {  	_ =	strace s2  }
0x97: {  	_ =	strace $0x8FFFFFFF  }
0x98: {  	s18 =	sld [smem:$0x3FDB];
	_ =	sdelay $0x1  }
0x99: {  	s19 =	simm.s32 $_scs_section_size  }
0x9a: {  	s4 =	simm.s32 $_size__tile_overlayer_lowered;
	s5 =	simm.s32 $_tile_overlayer_lowered  }
0x9b: {  	s22 =	simm.s32 $0x1BFF;
	s21 =	sshll.u32 s5, $0x1;
	s2 =	sadd.s32 s19, s18  }
0x9c: {  	s6 =	simm.s32 $0x0;
	s20 =	sshll.u32 s4, $0x1;
	s4 =	sadd.s32 s21, s2  }
0x9d: {  	[timem:s6], [sflag:s22] =	dma.local [hbm:s4], s20  }
0x9e: {  	_ =	swait.ge [sflag:s22], s20  }
0x9f: {  	s3 =	ssub.s32 $0x0, s20;
	[sflag:s22] =	ssyncset.done $0x0  }
0xa0: {  	[sflag:s22] =	ssyncadd.s32 s3;
	_ =	sdelay $0x1  }
0xa1: {  	s23 =	simm.s32 $0x1B8B  }
0xa2: {  	_ =	swait.ge [sflag:s23], $0x1  }
0xa3: {  	[sflag:s23] =	ssyncset.done $0x0  }
0xa4: {  	s25 =	simm.s32 $0x1B8E;
	s24 =	sld [smem:$0x3FFE];
	[sflag:s23] =	ssyncadd.s32 $0xFFFFFFFF  }
0xa5: {  	s26 =	simm.s32 $execute0_lowered;
	[smem:$0x3FD2] =	sst s25  }
0xa6: {  	s4 =	sshll.u32 s26, $0x1;
	_ =	strace $0x8000004C;
	[dreg:$0x1] =	wrdreg $0xFFFFFFFF  }
0xa7: {  	s28 =	simm.s32 $_size_execute0_lowered;
	s2 =	sadd.s32 s2, s4;
	[dreg:$0x0] =	wrdreg $0x0  }
0xa8: {  	s4 =	sshll.u32 s28, $0x1;
	[dreg:$0x2] =	wrdreg s2  }
0xa9: {  	[dreg:$0x3] =	wrdreg s4  }
0xaa: {  	[dreg:$0x4] =	wrdreg $0xC0  }
0xab: {  	_ =	task [dreg:s6], $0x5FFFF  }
0xac: {  	[dreg:$0x1] =	wrdreg $0xFFFFFFFF  }
0xad: {  	[dreg:$0x0] =	wrdreg $0x60  }
0xae: {  	[dreg:$0x2] =	wrdreg s24  }
0xaf: {  	[dreg:$0x3] =	wrdreg $0x9  }
0xb0: {  	_ =	task.clear_ibuf [dreg:s6], $0x4FFFF;
	_ =	strace $0x9000004C  }
0xb1: {  	s29 =	simm.s32 $0x9;
	_ =	strace $0x8000004E  }
0xb2: {  	_ =	swait.ge [sflag:s29], $0x1  }
0xb3: {  	[sflag:s29] =	ssyncadd.s32 $0xFFFFFFFF  }
0xb4: {  	_ =	strace $0x9000004E  }
0xb5: {  	_ =	sfence  }
0xb6: {  	s30 =	sld [smem:$0x0];
	_ =	sdelay $0x2  }
0xb7: {  	s31 =	sshll.u32 s1, $0xD;
	s1 =	sshrl.u32 s1, $0x2  }
0xb8: {  	s3 =	sand.u32 $0x4000, s31;
	s1 =	sadd.s32 s1, s30  }
0xb9: {  	s0 =	sor.u32 s3, s0;
	s1 =	sshll.u32 s1, $0x11  }
0xba: {  	s0 =	sor.u32 s1, s0  }
0xbb: {  	s0 =	sadd.s32 $0x8F2B, s0  }
0xbc: {  	[sflag:s0] =	ssyncadd.remote.s32 $0x1  }
0xbd: {  	_ =	sfence.sel $0xFFFF  }
0xbe: {  	[dreg:$0x0] =	wrdreg $0xFFFFFFFF;
	(pc) =	sbr.abs _section_cstart, $3  }
0xbf: {  	[dreg:$0x1] =	wrdreg $0xFFFFFFFF  }
0xc0: {  	_ =	task.clear_ibuf [dreg:s6], $0x2FFFF;
	_ =	strace $0x9FFFFFFF  }
0xc1: {  	(tm) =	ssettm $0x7FFFFFFF  }
tec
execute0_lowered:
.L_overlay_start_1:
0x0: {  	(tag) =	ssettag $0x1  }
0x1: {  	s1 =	srdreg.scid  }
0x2: {  	s0 =	stileid.u32;
	s6 =	rddreg [dreg:$0x0]  }
0x3: {  	s5 =	simm.s32 $0x2;
	s10 =	simm.s32 $0x3;
	s1 =	sshll.u32 s1, $0xC  }
0x4: {  	s12 =	simm.s32 $0x0;
	s2 =	sshll.u32 s0, $0xD;
	s3 =	sand.u32 $0x1000, s1  }
0x5: {  	s11 =	simm.s32 $0x0;
	s1 =	rddreg [dreg:$0x1];
	s2 =	sor.u32 s2, s3  }
0x6: {  	_ =	strace $0x8000004D;
	s3 =	sadd.s32 $0x70000, s6;
	s4 =	sshrl.u32 s2, $0x3  }
0x7: {  	s7 =	ssub.s32 $0x20000, s2;
	s8 =	sadd.s32 s4, s6;
	s4 =	simm.s32 $0x1  }
.Ltmp0:
0x8: {  	s9 =	sand.u32 $0x1F000, s7;
	s7 =	sshrl.u32 s7, $0x11;
	(pc) =	sbr.rel .LBB2_1-.Ltmp0, $4  }
0x9: {  	s6 =	sadd.s32 $0x24000, s6;
	p0 =	sne.s32 s9, $0x0;
	s9 =	simm.s32 $0x1  }
0xa: {  	[sflag:s4] =	ssyncpa.u1 $0x0;
	s8 =	sadd.s32 $0x20000, s8;
	s9 =	simm.s32 @!p0 $0x0  }
0xb: {  	[sflag:s5] =	ssyncpa.u1 $0x0;
	p0 =	por $0x0, $0x0;
	s7 =	sadd.s32 s9, s7  }
0xc: {  	vm0 =	vmmov $0xffff;
	v0 =	vimm.s32 $0x0;
	[sflag:s10] =	ssyncpa.u1 $0x0;
	s10 =	simm.s32 $0x0;
	s9 =	sadd.s32 $0x1, s7  }
.LBB2_4:
0xd: {  	_ =	sdelay $0x3  }
0xe: {  	[tilespmem:s20], [sflag:$0x1] =	stream.indirect_vreg.gather [hbm4b:s3+s10], $0x1, v1, vm0, $0x4038;
	[tilespmem:$0xA000] =	vst v63  }
0xf: {  	s14 =	sadd.s32 s17, s14  }
0x10: {  	v1 =	vld.msk [tilespmem:s14+$0x0 ss:$0x1], $0xffff;
	_ =	sdelay $0x4  }
0x11: {  	v2 =	vshrl.u32 v1, $0x1;
	v3 =	vand.u32 $0x1, v1  }
0x12: {  	v4 =	vshll.u32 v1, $0x1;
	vm1 =	veq.s32 v1, $0x80000000;
	vm2 =	veq.s32 v3, $0x1  }
0x13: {  	v1 =	vand.u32 $0x3FF, v2;
	v3 =	vand.u32 $0x7C0000, v4;
	v2 =	vsel vm2, $0x500000, v0  }
0x14: {  	v1 =	vsel vm1, $0xFFFFFFFF, v1;
	v2 =	vadd.s32 v3, v2;
	v3 =	vand.u32 $0x3F000, v4  }
0x15: {  	v63 =	vshll.u32 v1, $0x2;
	v2 =	vor.u32 v3, v2  }
0x16: {  	v3 =	vand.u32 $0xFFFFFE00, v63;
	v2 =	vsel vm1, $0xFFABF000, v2  }
0x17: {  	v1 =	vand.u32 $0x7F, v1;
	v2 =	vadd.s32 v3, v2  }
0x18: {  	v1 =	vor.u32 v1, v2;
	_ =	sdelay $0x1  }
0x19: {  	s28 =	sand.u32 $0x3E00, s16  }
0x1a: {  	s15 =	sand.u32 $0x70, s15;
	(ifvalue) =	ssetifvalue $0x7FFFFFFF;
	s14 =	sadd.s32 s28, s13;
	v2 =	vor.u32 $0x80, v1  }
0x1b: {  	s14 =	sadd.s32 s15, s14;
	(ifvalue) =	ssetifvalue $0x7FFFFFFF  }
0x1c: {  	[tilespmem:s14], [sflag:$0x1] =	stream.indirect_vreg.gather [hbm4b:s3+s10], $0x1, v1, vm0, $0x4038;
	[tilespmem:$0xA000] =	vst v63  }
0x1d: {  	v3 =	vor.u32 $0x100, v1;
	(ifvalue) =	ssetifvalue $0x7FFFFFFF  }
0x1e: {  	s15 =	sadd.s32 $0x80, s14;
	(ifvalue) =	ssetifvalue $0x7FFFFFFF  }
0x1f: {  	[tilespmem:s15], [sflag:$0x1] =	stream.indirect_vreg.gather [hbm4b:s3+s10], $0x1, v2, vm0, $0x4038;
	[tilespmem:$0xA000] =	vst v63  }
0x20: {  	v1 =	vor.u32 $0x180, v1;
	(ifvalue) =	ssetifvalue $0x7FFFFFFF  }
0x21: {  	s29 =	sadd.s32 $0x100, s14;
	(ifvalue) =	ssetifvalue $0x7FFFFFFF  }
0x22: {  	[tilespmem:s29], [sflag:$0x1] =	stream.indirect_vreg.gather [hbm4b:s3+s10], $0x1, v3, vm0, $0x4038;
	[tilespmem:$0xA000] =	vst v63  }
0x23: {  	(ifvalue) =	ssetifvalue $0x7FFFFFFF  }
0x24: {  	s30 =	sshll.u32 s12, $0x2;
	s14 =	sadd.s32 $0x180, s14;
	(ifvalue) =	ssetifvalue $0x7FFFFFFF  }
0x25: {  	[tilespmem:s14], [sflag:$0x1] =	stream.indirect_vreg.gather [hbm4b:s3+s10], $0x1, v1, vm0, $0x4038;
	[tilespmem:$0xA000] =	vst v63  }
0x26: {  	s31 =	sand.u32 $0x78, s12;
	s14 =	sand.u32 $0x7FFFFE00, s30  }
0x27: {  	_ =	swait.ge [sflag:s4], $0x4000;
	s12 =	sor.u32 s31, s14  }
0x28: {  	[sflag:s4] =	ssyncset.done $0x0;
	s12 =	sshrl.u32 s12, $0x3  }
0x29: {  	[sflag:s4] =	ssyncadd.s32 $0xFFFFC000;
	s12 =	sadd.s32 s6, s12  }
0x2a: {  	[hbm:s12] =	stream.linear.scatter [tilespmem:s13], [sflag:$0x3], $0x4000, $0x38;
	[tilespmem:$0xA000] =	vst v63  }
.LBB2_5:
0x2b: {  	p2 =	sne.s32 s11, s9  }
.Ltmp1:
0x2c: {  	p1 =	slt.u32 s11, $0x2;
	(pc) =	sbr.rel @!p2 .LBB2_6-.Ltmp1, $4  }
0x2d: {  	s12 =	simm.s32 @!p1 $0x3  }
0x2e: {  	_ =	swait.ge @!p1 [sflag:s12], $0x4000  }
0x2f: {  	s13 =	sadd.s32 $0x1, s11;
	p0 =	por !p0, !p0;
	[sflag:s12] =	ssyncset.done @!p1 $0x0  }
0x30: {  	s11 =	smov.u32 s13;
	[sflag:s12] =	ssyncadd.s32 @!p1 $0xFFFFC000;
	s12 =	smov.u32 s2  }
.LBB2_1:
0x31: {  	p1 =	sge.u32 s11, s7  }
0x32: {  	s13 =	sxor.u32 @!p1 $0xFFFFFFFF, s11  }
0x33: {  	s13 =	sshll.u32 @!p1 s13, $0xC  }
0x34: {  	s31 =	sadd.s32 $0xFFFFFFFF, s11;
	s14 =	simm.s32 @!p1 $0x0;
	s13 =	sand.u32 @!p1 $0x1000, s13  }
0x35: {  	[tilespmem:s13], [sflag:$0x2] =	stream.linear.gather @!p1 [hbm4b:s8+s14], $0x1000, $0x38;
	[tilespmem:$0xA000] =	vst v63  }
0x36: {  	p1 =	sge.u32 s31, s7  }
.Ltmp2:
0x37: {  	_ = 	snop;
	(pc) =	sbr.rel @p1 .LBB2_5-.Ltmp2, $1  }
0x38: {  	_ =	sdelay $0x3  }
0x39: {  	s13 =	simm.s32 $0x1  }
0x3a: {  	_ =	swait.ge [sflag:s5], $0x1000;
	s13 =	simm.s32 @!p0 $0x0  }
0x3b: {  	[sflag:s5] =	ssyncset.done $0x0;
	s14 =	sshll.u32 s13, $0xC  }
0x3c: {  	[sflag:s5] =	ssyncadd.s32 $0xFFFFF000;
	s13 =	sadd.s32 $0x0, s14  }
0x3d: {  	v1 =	vld.msk [tilespmem:s13+$0x0 ss:$0x1], $0xffff;
	_ =	sdelay $0x4  }
0x3e: {  	v2 =	vshrl.u32 v1, $0x1;
	v3 =	vand.u32 $0x1, v1  }
0x3f: {  	v4 =	vshll.u32 v1, $0x1;
	vm1 =	veq.s32 v1, $0x80000000;
	vm2 =	veq.s32 v3, $0x1  }
0x40: {  	v1 =	vand.u32 $0x3FF, v2;
	v3 =	vand.u32 $0x7C0000, v4;
	v2 =	vsel vm2, $0x500000, v0  }
0x41: {  	v1 =	vsel vm1, $0xFFFFFFFF, v1;
	v2 =	vadd.s32 v3, v2;
	v3 =	vand.u32 $0x3F000, v4  }
0x42: {  	v63 =	vshll.u32 v1, $0x2;
	v2 =	vor.u32 v3, v2  }
0x43: {  	v3 =	vand.u32 $0xFFFFFE00, v63;
	v2 =	vsel vm1, $0xFFABF000, v2  }
0x44: {  	v1 =	vand.u32 $0x7F, v1;
	v2 =	vadd.s32 v3, v2  }
0x45: {  	s31 =	sshll.u32 s11, $0xE;
	v1 =	vor.u32 v1, v2  }
0x46: {  	s15 =	simm.s32 $0x0;
	s13 =	sand.u32 $0x4000, s31  }
0x47: {  	s16 =	sand.u32 $0x3E00, s15;
	s13 =	sor.u32 $0x2000, s13  }
0x48: {  	s15 =	sand.u32 $0x70, s15;
	(ifvalue) =	ssetifvalue $0x7FFFFFFF;
	s16 =	sadd.s32 s16, s13;
	v2 =	vor.u32 $0x80, v1  }
0x49: {  	(ifvalue) =	ssetifvalue $0x7FFFFFFF;
	s20 =	sadd.s32 s15, s16  }
0x4a: {  	[tilespmem:s20], [sflag:$0x1] =	stream.indirect_vreg.gather [hbm4b:s3+s10], $0x1, v1, vm0, $0x4038;
	[tilespmem:$0xA000] =	vst v63  }
0x4b: {  	v3 =	vor.u32 $0x100, v1;
	(ifvalue) =	ssetifvalue $0x7FFFFFFF  }
0x4c: {  	s15 =	sadd.s32 $0x80, s20;
	(ifvalue) =	ssetifvalue $0x7FFFFFFF  }
0x4d: {  	[tilespmem:s15], [sflag:$0x1] =	stream.indirect_vreg.gather [hbm4b:s3+s10], $0x1, v2, vm0, $0x4038;
	[tilespmem:$0xA000] =	vst v63  }
0x4e: {  	s18 =	simm.s32 $0x20;
	v1 =	vor.u32 $0x180, v1;
	(ifvalue) =	ssetifvalue $0x7FFFFFFF  }
0x4f: {  	s19 =	simm.s32 $0x80;
	s17 =	sadd.s32 $0x100, s20;
	(ifvalue) =	ssetifvalue $0x7FFFFFFF  }
0x50: {  	[tilespmem:s17], [sflag:$0x1] =	stream.indirect_vreg.gather [hbm4b:s3+s10], $0x1, v3, vm0, $0x4038;
	[tilespmem:$0xA000] =	vst v63  }
0x51: {  	s16 =	simm.s32 $0x40;
	s20 =	sadd.s32 $0x180, s20;
	(ifvalue) =	ssetifvalue $0x7FFFFFFF  }
0x52: {  	s15 =	simm.s32 $0x10;
	s17 =	simm.s32 $0x10;
	(ifvalue) =	ssetifvalue $0x7FFFFFFF  }
.LBB2_3:
0x53: {  	[tilespmem:s20], [sflag:$0x1] =	stream.indirect_vreg.gather [hbm4b:s3+s10], $0x1, v1, vm0, $0x4038;
	[tilespmem:$0xA000] =	vst v63  }
0x54: {  	p1 =	sne.s32 s18, $0xFF0;
	s20 =	sadd.s32 s17, s14;
	s17 =	sshra.s32 s19, $0x2  }
0x55: {  	v1 =	vld.msk [tilespmem:s20+$0x0 ss:$0x1], $0xffff;
	s20 =	smov.u32 s18;
	s18 =	sadd.s32 $0x10, s18  }
0x56: {  	(ifvalue) =	ssetifvalue $0x7FFFFFFF;
	_ =	sdelay $0x4  }
0x57: {  	v2 =	vshrl.u32 v1, $0x1;
	v3 =	vand.u32 $0x1, v1;
	v4 =	vshll.u32 v1, $0x1  }
0x58: {  	vm1 =	veq.s32 v1, $0x80000000;
	v1 =	vand.u32 $0x3FF, v2;
	vm2 =	veq.s32 v3, $0x1  }
0x59: {  	v3 =	vand.u32 $0x7C0000, v4;
	v1 =	vsel vm1, $0xFFFFFFFF, v1;
	v2 =	vsel vm2, $0x500000, v0  }
0x5a: {  	v2 =	vadd.s32 v3, v2;
	v3 =	vand.u32 $0x3F000, v4;
	v4 =	vshll.u32 v1, $0x2  }
0x5b: {  	v2 =	vor.u32 v3, v2  }
0x5c: {  	v3 =	vand.u32 $0xFFFFFE00, v4;
	v2 =	vsel vm1, $0xFFABF000, v2  }
0x5d: {  	v1 =	vand.u32 $0x7F, v1;
	v2 =	vadd.s32 v3, v2  }
0x5e: {  	v1 =	vor.u32 v1, v2;
	_ =	sdelay $0x1  }
0x5f: {  	s21 =	sand.u32 $0x3E00, s16;
	s16 =	smov.u32 s19  }
0x60: {  	s22 =	sand.u32 $0x70, s15;
	s21 =	sadd.s32 s21, s13;
	s15 =	smov.u32 s20;
	v2 =	vor.u32 $0x80, v1  }
0x61: {  	s20 =	sadd.s32 s22, s21;
	(ifvalue) =	ssetifvalue $0x7FFFFFFF  }
0x62: {  	[tilespmem:s20], [sflag:$0x1] =	stream.indirect_vreg.gather [hbm4b:s3+s10], $0x1, v1, vm0, $0x4038;
	[tilespmem:$0xA000] =	vst v63  }
0x63: {  	v3 =	vor.u32 $0x100, v1;
	(ifvalue) =	ssetifvalue $0x7FFFFFFF  }
0x64: {  	s21 =	sadd.s32 $0x80, s20;
	(ifvalue) =	ssetifvalue $0x7FFFFFFF  }
0x65: {  	[tilespmem:s21], [sflag:$0x1] =	stream.indirect_vreg.gather [hbm4b:s3+s10], $0x1, v2, vm0, $0x4038;
	[tilespmem:$0xA000] =	vst v63  }
.Ltmp3:
0x66: {  	v1 =	vor.u32 $0x180, v1;
	(ifvalue) =	ssetifvalue $0x7FFFFFFF;
	(pc) =	sbr.rel @p1 .LBB2_3-.Ltmp3, $4  }
0x67: {  	s21 =	sadd.s32 $0x100, s20;
	(ifvalue) =	ssetifvalue $0x7FFFFFFF  }
0x68: {  	[tilespmem:s21], [sflag:$0x1] =	stream.indirect_vreg.gather [hbm4b:s3+s10], $0x1, v3, vm0, $0x4038;
	[tilespmem:$0xA000] =	vst v63  }
0x69: {  	(ifvalue) =	ssetifvalue $0x7FFFFFFF  }
0x6a: {  	s19 =	sadd.s32 $0x40, s19;
	s20 =	sadd.s32 $0x180, s20;
	(ifvalue) =	ssetifvalue $0x7FFFFFFF  }
.Ltmp4:
0x6b: {  	_ = 	snop;
	(pc) =	sbr.rel .LBB2_4-.Ltmp4, $1  }
0x6c: {  	_ =	sdelay $0x3  }
.LBB2_6:
0x6d: {  	_ =	sfence.sel $0x180000  }
0x6e: {  	s2 =	simm.s32 $0x2;
	[bflag:$0x0] =	sbarrier.arrive $0xFFFF  }
0x6f: {  	s30 =	simm.s32 $0x3;
	[sflag:s2] =	ssyncpa.u1 $0x1  }
0x70: {  	s31 =	simm.s32 $0x1;
	[sflag:s30] =	ssyncpa.u1 $0x1  }
0x71: {  	[sflag:s31] =	ssyncpa.u1 $0x1  }
0x72: {  	p0 =	sne.s32 s0, $0x0;
	_ =	strace $0x9000004D  }
0x73: {  	s0 =	sadd.s32 @!p0 $0x100000, s1;
	[bflag:$0x2] =	sbarrier.arrive $0xFFFF  }
0x74: {  	[sflag:s0] =	ssyncadd.tile.s32 @!p0 $0x1;
	_ =	shalt  }
.Lfunc_end2:
_tile_overlayer_lowered:
.L_overlay_start_2:
0x75: {  	(tag) =	ssettag $0x2  }
0x76: {  	s0 =	rddreg [dreg:$0x0];
	s2 =	stileid.u32  }
0x77: {  	s1 =	rddreg [dreg:$0x1];
	p0 =	sne.s32 s2, $0x0  }
0x78: {  	s3 =	rddreg [dreg:$0x2];
	[bflag:$0x3] =	sbarrier.arrive $0xFFFF;
	s2 =	simm.s32 @!p0 $0x1C01  }
0x79: {  	[timem:s3], [sflag:s2] =	dma.local @!p0 [hbm:s0], s1  }
0x7a: {  	s0 =	simm.s32 @!p0 $0x1  }
0x7b: {  	_ =	swait.ge @!p0 [sflag:s0], s1  }
0x7c: {  	s1 =	ssub.s32 @!p0 $0x0, s1;
	[sflag:s0] =	ssyncset.done @!p0 $0x0  }
0x7d: {  	[sflag:s0] =	ssyncadd.s32 @!p0 s1  }
0x7e: {  	[bflag:$0x3] =	sbarrier.arrive $0xFFFF  }
0x7f: {  	_ =	shalt  }

// kernel: gather_offload_async_start.3
scs
__scs_entry_jumppad:
0x0: {  	(pc) =	sbr.rel $0x88, $3  }
0x1: {  	(tag) =	ssettag $0x0;
	lr =	simm.s32 $0x1  }
0x2: {  	[smem:$0x3F97] =	sst lr;
	_ =	strace $0xD0000000  }
0x3: {  	_ = 	snop  }
0x4: {  	_ = 	snop  }
0x5: {  	_ = 	snop  }
0x6: {  	_ = 	snop  }
0x7: {  	_ = 	snop  }
__scs_overlays_trampoline_lowered:
0x8: {  	[smem:$0x3FA6] =	sst s0  }
0x9: {  	[smem:$0x3FA7] =	sst s1  }
0xa: {  	[smem:$0x3FA8] =	sst s2  }
0xb: {  	[smem:$0x3FA9] =	sst s3  }
0xc: {  	[smem:$0x3FAA] =	sst s4  }
0xd: {  	[smem:$0x3FAB] =	sst s5  }
0xe: {  	[smem:$0x3FAC] =	sst s6  }
0xf: {  	[smem:$0x3FAD] =	sst s7  }
0x10: {  	[smem:$0x3FAE] =	sst s8  }
0x11: {  	[smem:$0x3FAF] =	sst s9;
	s0 =	simm.s32 @!p0 $0x0  }
0x12: {  	s1 =	sld [smem:$0x3F95];
	s0 =	simm.s32 @p0 $0x1  }
0x13: {  	[smem:$0x3FB0] =	sst s0;
	s0 =	simm.s32 @!p1 $0x0  }
0x14: {  	s2 =	sld [smem:$0x3F94];
	s0 =	simm.s32 @p1 $0x1  }
0x15: {  	[smem:$0x3FB1] =	sst s0;
	s0 =	simm.s32 @!p2 $0x0  }
0x16: {  	s3 =	sld [smem:$0x3FDB];
	s0 =	simm.s32 @p2 $0x1  }
0x17: {  	s4 =	simm.s32 $0x1BF5;
	[smem:$0x3FB3] =	sst s0  }
0x18: {  	s0 =	sld [smem:$0x3F96];
	_ =	swait.ge [sflag:s4], $0x0  }
0x19: {  	s7 =	sld [smem:$0x3F97]  }
0x1a: {  	s8 =	sadd.s32 $0xFFFFE003, lr  }
0x1b: {  	s9 =	sadd.s32 $0xFFFFFEF7, lr;
	s5 =	simm.s32 $0xFFFFFFFF;
	p2 =	slt.u32 s8, $0xFFFFF086  }
0x1c: {  	p1 =	slt.u32 s9, $0xF7A;
	s5 =	simm.s32 @!p2 $0x0  }
0x1d: {  	s5 =	simm.s32 @p1 $0x1;
	p0 =	seq.s32 s7, s2  }
0x1e: {  	s7 =	smul.u32 @!p0 $0xF7A, s2;
	p2 =	seq.s32 @!p0 s5, $0x0  }
0x1f: {  	s9 =	smul.u32 $0xF7A, s1;
	s8 =	simm.s32 @!p0 $0x1BF5;
	p2 =	por !p2, p0  }
0x20: {  	[sflag:s8] =	ssyncset.s32 @!p0 $0xFFFFF086;
	s6 =	sadd.s32 @!p0 s3, s7;
	s7 =	simm.s32 @!p0 $0x108  }
0x21: {  	s3 =	sadd.s32 s3, s9;
	s6 =	sadd.s32 @!p0 $0x88, s6;
	s7 =	simm.s32 @p2 $0x1082  }
0x22: {  	[simem:s7], [sflag:s8] =	dma.local @!p0 [hbm:s6], $0xF7A  }
0x23: {  	s9 =	sor.u32 $0xD0000000, s2;
	s6 =	simm.s32 $0x108;
	_ =	swait.ge @!p0 [sflag:s8], $0x0  }
0x24: {  	s3 =	sadd.s32 $0x88, s3;
	s6 =	simm.s32 @!p1 $0x1082;
	[sflag:s4] =	ssyncset.s32 $0xFFFFF086  }
0x25: {  	[simem:s6], [sflag:s4] =	dma.local [hbm:s3], $0xF7A  }
0x26: {  	[smem:$0x3F97] =	sst s1;
	(tag) =	ssettag s2;
	_ =	strace s9  }
0x27: {  	s1 =	sld [smem:$0x3FA7]  }
0x28: {  	s2 =	sld [smem:$0x3FA8]  }
0x29: {  	s4 =	sld [smem:$0x3FAA]  }
0x2a: {  	p0 =	seq.s32 s5, $0x0;
	s5 =	sld [smem:$0x3FAB]  }
0x2b: {  	s6 =	sld [smem:$0x3FAC]  }
0x2c: {  	s7 =	sld [smem:$0x3FAD]  }
0x2d: {  	s3 =	simm.s32 $0x108;
	s8 =	sld [smem:$0x3FAE]  }
0x2e: {  	s3 =	simm.s32 @!p0 $0x1082;
	s9 =	sld [smem:$0x3FAF]  }
0x2f: {  	lr =	sadd.s32 s0, s3;
	s0 =	sld [smem:$0x3FA6]  }
0x30: {  	s3 =	sld [smem:$0x3FA9]  }
0x31: {  	[smem:$0x3FB2] =	sst s10  }
0x32: {  	s10 =	sld [smem:$0x3FB0];
	_ =	sdelay $0x3  }
0x33: {  	p0 =	seq.s32 s10, $0x1;
	s10 =	sld [smem:$0x3FB2];
	_ =	sdelay $0x3  }
0x34: {  	[smem:$0x3FB2] =	sst s10  }
0x35: {  	s10 =	sld [smem:$0x3FB1];
	_ =	sdelay $0x3  }
0x36: {  	p1 =	seq.s32 s10, $0x1;
	s10 =	sld [smem:$0x3FB2];
	_ =	sdelay $0x3  }
0x37: {  	[smem:$0x3FB2] =	sst s10  }
0x38: {  	s10 =	sld [smem:$0x3FB3]  }
0x39: {  	_ = 	snop;
	(pc) =	sbr.ind lr, $3  }
0x3a: {  	_ = 	snop  }
0x3b: {  	_ = 	snop  }
0x3c: {  	p2 =	seq.s32 s10, $0x1;
	s10 =	sld [smem:$0x3FB2]  }
0x3d: {  	_ =	shalt  }
0x3e: {  	_ =	shalt  }
0x3f: {  	_ =	shalt  }
0x40: {  	_ =	shalt  }
0x41: {  	_ =	shalt  }
0x42: {  	_ =	shalt  }
0x43: {  	_ =	shalt  }
0x44: {  	_ =	shalt  }
0x45: {  	_ =	shalt  }
0x46: {  	_ =	shalt  }
0x47: {  	_ =	shalt  }
0x48: {  	_ =	shalt  }
0x49: {  	_ =	shalt  }
0x4a: {  	_ =	shalt  }
0x4b: {  	_ =	shalt  }
0x4c: {  	_ =	shalt  }
0x4d: {  	_ =	shalt  }
0x4e: {  	_ =	shalt  }
0x4f: {  	_ =	shalt  }
0x50: {  	_ =	shalt  }
0x51: {  	_ =	shalt  }
0x52: {  	_ =	shalt  }
0x53: {  	_ =	shalt  }
0x54: {  	_ =	shalt  }
0x55: {  	_ =	shalt  }
0x56: {  	_ =	shalt  }
0x57: {  	_ =	shalt  }
0x58: {  	_ =	shalt  }
0x59: {  	_ =	shalt  }
0x5a: {  	_ =	shalt  }
0x5b: {  	_ =	shalt  }
0x5c: {  	_ =	shalt  }
0x5d: {  	_ =	shalt  }
0x5e: {  	_ =	shalt  }
0x5f: {  	_ =	shalt  }
0x60: {  	_ =	shalt  }
0x61: {  	_ =	shalt  }
0x62: {  	_ =	shalt  }
0x63: {  	_ =	shalt  }
0x64: {  	_ =	shalt  }
0x65: {  	_ =	shalt  }
0x66: {  	_ =	shalt  }
0x67: {  	_ =	shalt  }
0x68: {  	_ =	shalt  }
0x69: {  	_ =	shalt  }
0x6a: {  	_ =	shalt  }
0x6b: {  	_ =	shalt  }
0x6c: {  	_ =	shalt  }
0x6d: {  	_ =	shalt  }
0x6e: {  	_ =	shalt  }
0x6f: {  	_ =	shalt  }
0x70: {  	_ =	shalt  }
0x71: {  	_ =	shalt  }
0x72: {  	_ =	shalt  }
0x73: {  	_ =	shalt  }
0x74: {  	_ =	shalt  }
0x75: {  	_ =	shalt  }
0x76: {  	_ =	shalt  }
0x77: {  	_ =	shalt  }
0x78: {  	_ =	shalt  }
0x79: {  	_ =	shalt  }
0x7a: {  	_ =	shalt  }
0x7b: {  	_ =	shalt  }
0x7c: {  	_ =	shalt  }
0x7d: {  	_ =	shalt  }
0x7e: {  	_ =	shalt  }
0x7f: {  	_ =	shalt  }
0x80: {  	_ =	shalt  }
0x81: {  	_ =	shalt  }
0x82: {  	_ =	shalt  }
0x83: {  	_ =	shalt  }
0x84: {  	_ =	shalt  }
0x85: {  	_ =	shalt  }
0x86: {  	_ =	shalt  }
0x87: {  	_ =	shalt  }
.Lfunc_end0:
.L_simem_size_0:
called_computation.3_lowered:
.L_overlay_start_0:
0x88: {  	s2 =	sld [smem:$0x3FD9]  }
0x89: {  	s3 =	sld [smem:$0x3FFE];
	_ =	sdelay $0x1  }
0x8a: {  	s1 =	srdreg.scid  }
0x8b: {  	s0 =	sand.u32 $0x1, s1  }
0x8c: {  	s16 =	sshll.u32 s0, $0xA;
	s2 =	sadd.s32 s3, s2  }
0x8d: {  	s2 =	sadd.s32 s2, s16  }
0x8e: {  	[smem:$0x3FBE] =	sst s2  }
0x8f: {  	_ = 	snop  }
0x90: {  	(tm) =	ssettm $0x1  }
0x91: {  	s17 =	sld [smem:$0x3FFB];
	_ =	sdelay $0x3  }
0x92: {  	_ =	strace s17  }
0x93: {  	s2 =	sld [smem:$0x3FFC];
	_ =	sdelay $0x3  }
0x94: {  	_ =	strace s2  }
0x95: {  	s2 =	sld [smem:$0x3FFD];
	_ =	sdelay $0x3  }
0x96: {  	_ =	strace s2  }
0x97: {  	_ =	strace $0x8FFFFFFF  }
0x98: {  	s18 =	sld [smem:$0x3FDB];
	_ =	sdelay $0x1  }
0x99: {  	s19 =	simm.s32 $_scs_section_size  }
0x9a: {  	s4 =	simm.s32 $_size__tile_overlayer_lowered;
	s5 =	simm.s32 $_tile_overlayer_lowered  }
0x9b: {  	s22 =	simm.s32 $0x1BFF;
	s21 =	sshll.u32 s5, $0x1;
	s2 =	sadd.s32 s19, s18  }
0x9c: {  	s6 =	simm.s32 $0x0;
	s20 =	sshll.u32 s4, $0x1;
	s4 =	sadd.s32 s21, s2  }
0x9d: {  	[timem:s6], [sflag:s22] =	dma.local [hbm:s4], s20  }
0x9e: {  	_ =	swait.ge [sflag:s22], s20  }
0x9f: {  	s3 =	ssub.s32 $0x0, s20;
	[sflag:s22] =	ssyncset.done $0x0  }
0xa0: {  	[sflag:s22] =	ssyncadd.s32 s3;
	_ =	sdelay $0x1  }
0xa1: {  	s23 =	simm.s32 $0x1B8B  }
0xa2: {  	_ =	swait.ge [sflag:s23], $0x1  }
0xa3: {  	[sflag:s23] =	ssyncset.done $0x0  }
0xa4: {  	s25 =	simm.s32 $0x1B8E;
	s24 =	sld [smem:$0x3FFE];
	[sflag:s23] =	ssyncadd.s32 $0xFFFFFFFF  }
0xa5: {  	s26 =	simm.s32 $execute0_lowered;
	[smem:$0x3FD2] =	sst s25  }
0xa6: {  	s4 =	sshll.u32 s26, $0x1;
	_ =	strace $0x8000004F;
	[dreg:$0x1] =	wrdreg $0xFFFFFFFF  }
0xa7: {  	s28 =	simm.s32 $_size_execute0_lowered;
	s2 =	sadd.s32 s2, s4;
	[dreg:$0x0] =	wrdreg $0x0  }
0xa8: {  	s4 =	sshll.u32 s28, $0x1;
	[dreg:$0x2] =	wrdreg s2  }
0xa9: {  	[dreg:$0x3] =	wrdreg s4  }
0xaa: {  	[dreg:$0x4] =	wrdreg $0xC0  }
0xab: {  	_ =	task [dreg:s6], $0x5FFFF  }
0xac: {  	[dreg:$0x1] =	wrdreg $0xFFFFFFFF  }
0xad: {  	[dreg:$0x0] =	wrdreg $0x60  }
0xae: {  	[dreg:$0x2] =	wrdreg s24  }
0xaf: {  	[dreg:$0x3] =	wrdreg $0x9  }
0xb0: {  	_ =	task.clear_ibuf [dreg:s6], $0x4FFFF;
	_ =	strace $0x9000004F  }
0xb1: {  	s29 =	simm.s32 $0x9;
	_ =	strace $0x80000051  }
0xb2: {  	_ =	swait.ge [sflag:s29], $0x1  }
0xb3: {  	[sflag:s29] =	ssyncadd.s32 $0xFFFFFFFF  }
0xb4: {  	_ =	strace $0x90000051  }
0xb5: {  	_ =	sfence  }
0xb6: {  	s30 =	sld [smem:$0x0];
	_ =	sdelay $0x2  }
0xb7: {  	s31 =	sshll.u32 s1, $0xD;
	s1 =	sshrl.u32 s1, $0x2  }
0xb8: {  	s3 =	sand.u32 $0x4000, s31;
	s1 =	sadd.s32 s1, s30  }
0xb9: {  	s0 =	sor.u32 s3, s0;
	s1 =	sshll.u32 s1, $0x11  }
0xba: {  	s0 =	sor.u32 s1, s0  }
0xbb: {  	s0 =	sadd.s32 $0x8F2B, s0  }
0xbc: {  	[sflag:s0] =	ssyncadd.remote.s32 $0x1  }
0xbd: {  	_ =	sfence.sel $0xFFFF  }
0xbe: {  	[dreg:$0x0] =	wrdreg $0xFFFFFFFF;
	(pc) =	sbr.abs _section_cstart, $3  }
0xbf: {  	[dreg:$0x1] =	wrdreg $0xFFFFFFFF  }
0xc0: {  	_ =	task.clear_ibuf [dreg:s6], $0x2FFFF;
	_ =	strace $0x9FFFFFFF  }
0xc1: {  	(tm) =	ssettm $0x7FFFFFFF  }
tec
execute0_lowered:
.L_overlay_start_1:
0x0: {  	(tag) =	ssettag $0x1  }
0x1: {  	s0 =	srdreg.scid;
	s8 =	rddreg [dreg:$0x0]  }
0x2: {  	s1 =	stileid.u32;
	s5 =	simm.s32 $0x1;
	s6 =	simm.s32 $0x2  }
0x3: {  	s10 =	simm.s32 $0x3;
	s12 =	simm.s32 $0x0;
	s2 =	sshll.u32 s0, $0xC  }
0x4: {  	s11 =	simm.s32 $0x0;
	s3 =	sshll.u32 s1, $0xD;
	s4 =	sand.u32 $0x1000, s2  }
0x5: {  	s0 =	rddreg [dreg:$0x1];
	_ =	strace $0x80000050;
	s3 =	sor.u32 s3, s4  }
0x6: {  	s2 =	sadd.s32 $0x70000, s8;
	[sflag:s5] =	ssyncpa.u1 $0x0;
	s7 =	ssub.s32 $0x20000, s3  }
.Ltmp0:
0x7: {  	s4 =	sadd.s32 $0x4000, s8;
	s9 =	sand.u32 $0x1F000, s7;
	(pc) =	sbr.rel .LBB2_1-.Ltmp0, $4  }
0x8: {  	[sflag:s6] =	ssyncpa.u1 $0x0;
	p0 =	sne.s32 s9, $0x0;
	s9 =	simm.s32 $0x1  }
0x9: {  	[sflag:s10] =	ssyncpa.u1 $0x0;
	s7 =	sshrl.u32 s7, $0x11;
	s9 =	simm.s32 @!p0 $0x0  }
0xa: {  	s31 =	sshrl.u32 s3, $0x3;
	s10 =	simm.s32 $0x0;
	s7 =	sadd.s32 s9, s7  }
0xb: {  	vm0 =	vmmov $0xffff;
	v0 =	vimm.s32 $0x0;
	s8 =	sadd.s32 s8, s31;
	p0 =	por $0x0, $0x0;
	s9 =	sadd.s32 $0x1, s7  }
.LBB2_4:
0xc: {  	_ =	sdelay $0x3  }
0xd: {  	[tilespmem:s20], [sflag:$0x1] =	stream.indirect_vreg.gather [hbm4b:s2+s10], $0x1, v1, vm0, $0x4038;
	[tilespmem:$0xA000] =	vst v63  }
0xe: {  	s14 =	sadd.s32 s17, s14  }
0xf: {  	v1 =	vld.msk [tilespmem:s14+$0x0 ss:$0x1], $0xffff;
	_ =	sdelay $0x4  }
0x10: {  	v2 =	vshrl.u32 v1, $0x1;
	v3 =	vand.u32 $0x1, v1  }
0x11: {  	v4 =	vshll.u32 v1, $0x1;
	vm1 =	veq.s32 v1, $0x80000000;
	vm2 =	veq.s32 v3, $0x1  }
0x12: {  	v1 =	vand.u32 $0x3FF, v2;
	v3 =	vand.u32 $0x7C0000, v4;
	v2 =	vsel vm2, $0x500000, v0  }
0x13: {  	v1 =	vsel vm1, $0xFFFFFFFF, v1;
	v2 =	vadd.s32 v3, v2;
	v3 =	vand.u32 $0x3F000, v4  }
0x14: {  	v63 =	vshll.u32 v1, $0x2;
	v2 =	vor.u32 v3, v2  }
0x15: {  	v3 =	vand.u32 $0xFFFFFE00, v63;
	v2 =	vsel vm1, $0xFFABF000, v2  }
0x16: {  	v1 =	vand.u32 $0x7F, v1;
	v2 =	vadd.s32 v3, v2  }
0x17: {  	v1 =	vor.u32 v1, v2;
	_ =	sdelay $0x1  }
0x18: {  	s28 =	sand.u32 $0x3E00, s16  }
0x19: {  	s15 =	sand.u32 $0x70, s15;
	(ifvalue) =	ssetifvalue $0x7FFFFFFF;
	s14 =	sadd.s32 s28, s13;
	v2 =	vor.u32 $0x80, v1  }
0x1a: {  	s14 =	sadd.s32 s15, s14;
	(ifvalue) =	ssetifvalue $0x7FFFFFFF  }
0x1b: {  	[tilespmem:s14], [sflag:$0x1] =	stream.indirect_vreg.gather [hbm4b:s2+s10], $0x1, v1, vm0, $0x4038;
	[tilespmem:$0xA000] =	vst v63  }
0x1c: {  	v3 =	vor.u32 $0x100, v1;
	(ifvalue) =	ssetifvalue $0x7FFFFFFF  }
0x1d: {  	s15 =	sadd.s32 $0x80, s14;
	(ifvalue) =	ssetifvalue $0x7FFFFFFF  }
0x1e: {  	[tilespmem:s15], [sflag:$0x1] =	stream.indirect_vreg.gather [hbm4b:s2+s10], $0x1, v2, vm0, $0x4038;
	[tilespmem:$0xA000] =	vst v63  }
0x1f: {  	v1 =	vor.u32 $0x180, v1;
	(ifvalue) =	ssetifvalue $0x7FFFFFFF  }
0x20: {  	s29 =	sadd.s32 $0x100, s14;
	(ifvalue) =	ssetifvalue $0x7FFFFFFF  }
0x21: {  	[tilespmem:s29], [sflag:$0x1] =	stream.indirect_vreg.gather [hbm4b:s2+s10], $0x1, v3, vm0, $0x4038;
	[tilespmem:$0xA000] =	vst v63  }
0x22: {  	(ifvalue) =	ssetifvalue $0x7FFFFFFF  }
0x23: {  	s30 =	sshll.u32 s12, $0x2;
	s14 =	sadd.s32 $0x180, s14;
	(ifvalue) =	ssetifvalue $0x7FFFFFFF  }
0x24: {  	[tilespmem:s14], [sflag:$0x1] =	stream.indirect_vreg.gather [hbm4b:s2+s10], $0x1, v1, vm0, $0x4038;
	[tilespmem:$0xA000] =	vst v63  }
0x25: {  	s31 =	sand.u32 $0x78, s12;
	s14 =	sand.u32 $0x7FFFFE00, s30  }
0x26: {  	_ =	swait.ge [sflag:s5], $0x4000;
	s12 =	sor.u32 s31, s14  }
0x27: {  	[sflag:s5] =	ssyncset.done $0x0;
	s12 =	sshrl.u32 s12, $0x3  }
0x28: {  	[sflag:s5] =	ssyncadd.s32 $0xFFFFC000;
	s12 =	sadd.s32 s4, s12  }
0x29: {  	[hbm:s12] =	stream.linear.scatter [tilespmem:s13], [sflag:$0x3], $0x4000, $0x38;
	[tilespmem:$0xA000] =	vst v63  }
.LBB2_5:
0x2a: {  	p2 =	sne.s32 s11, s9  }
.Ltmp1:
0x2b: {  	p1 =	slt.u32 s11, $0x2;
	(pc) =	sbr.rel @!p2 .LBB2_6-.Ltmp1, $4  }
0x2c: {  	s12 =	simm.s32 @!p1 $0x3  }
0x2d: {  	_ =	swait.ge @!p1 [sflag:s12], $0x4000  }
0x2e: {  	s13 =	sadd.s32 $0x1, s11;
	p0 =	por !p0, !p0;
	[sflag:s12] =	ssyncset.done @!p1 $0x0  }
0x2f: {  	s11 =	smov.u32 s13;
	[sflag:s12] =	ssyncadd.s32 @!p1 $0xFFFFC000;
	s12 =	smov.u32 s3  }
.LBB2_1:
0x30: {  	p1 =	sge.u32 s11, s7  }
0x31: {  	s13 =	sxor.u32 @!p1 $0xFFFFFFFF, s11  }
0x32: {  	s13 =	sshll.u32 @!p1 s13, $0xC  }
0x33: {  	s31 =	sadd.s32 $0xFFFFFFFF, s11;
	s14 =	simm.s32 @!p1 $0x0;
	s13 =	sand.u32 @!p1 $0x1000, s13  }
0x34: {  	[tilespmem:s13], [sflag:$0x2] =	stream.linear.gather @!p1 [hbm4b:s8+s14], $0x1000, $0x38;
	[tilespmem:$0xA000] =	vst v63  }
0x35: {  	p1 =	sge.u32 s31, s7  }
.Ltmp2:
0x36: {  	_ = 	snop;
	(pc) =	sbr.rel @p1 .LBB2_5-.Ltmp2, $1  }
0x37: {  	_ =	sdelay $0x3  }
0x38: {  	s13 =	simm.s32 $0x1  }
0x39: {  	_ =	swait.ge [sflag:s6], $0x1000;
	s13 =	simm.s32 @!p0 $0x0  }
0x3a: {  	[sflag:s6] =	ssyncset.done $0x0;
	s14 =	sshll.u32 s13, $0xC  }
0x3b: {  	[sflag:s6] =	ssyncadd.s32 $0xFFFFF000;
	s13 =	sadd.s32 $0x0, s14  }
0x3c: {  	v1 =	vld.msk [tilespmem:s13+$0x0 ss:$0x1], $0xffff;
	_ =	sdelay $0x4  }
0x3d: {  	v2 =	vshrl.u32 v1, $0x1;
	v3 =	vand.u32 $0x1, v1  }
0x3e: {  	v4 =	vshll.u32 v1, $0x1;
	vm1 =	veq.s32 v1, $0x80000000;
	vm2 =	veq.s32 v3, $0x1  }
0x3f: {  	v1 =	vand.u32 $0x3FF, v2;
	v3 =	vand.u32 $0x7C0000, v4;
	v2 =	vsel vm2, $0x500000, v0  }
0x40: {  	v1 =	vsel vm1, $0xFFFFFFFF, v1;
	v2 =	vadd.s32 v3, v2;
	v3 =	vand.u32 $0x3F000, v4  }
0x41: {  	v63 =	vshll.u32 v1, $0x2;
	v2 =	vor.u32 v3, v2  }
0x42: {  	v3 =	vand.u32 $0xFFFFFE00, v63;
	v2 =	vsel vm1, $0xFFABF000, v2  }
0x43: {  	v1 =	vand.u32 $0x7F, v1;
	v2 =	vadd.s32 v3, v2  }
0x44: {  	s31 =	sshll.u32 s11, $0xE;
	v1 =	vor.u32 v1, v2  }
0x45: {  	s15 =	simm.s32 $0x0;
	s13 =	sand.u32 $0x4000, s31  }
0x46: {  	s16 =	sand.u32 $0x3E00, s15;
	s13 =	sor.u32 $0x2000, s13  }
0x47: {  	s15 =	sand.u32 $0x70, s15;
	(ifvalue) =	ssetifvalue $0x7FFFFFFF;
	s16 =	sadd.s32 s16, s13;
	v2 =	vor.u32 $0x80, v1  }
0x48: {  	(ifvalue) =	ssetifvalue $0x7FFFFFFF;
	s20 =	sadd.s32 s15, s16  }
0x49: {  	[tilespmem:s20], [sflag:$0x1] =	stream.indirect_vreg.gather [hbm4b:s2+s10], $0x1, v1, vm0, $0x4038;
	[tilespmem:$0xA000] =	vst v63  }
0x4a: {  	v3 =	vor.u32 $0x100, v1;
	(ifvalue) =	ssetifvalue $0x7FFFFFFF  }
0x4b: {  	s15 =	sadd.s32 $0x80, s20;
	(ifvalue) =	ssetifvalue $0x7FFFFFFF  }
0x4c: {  	[tilespmem:s15], [sflag:$0x1] =	stream.indirect_vreg.gather [hbm4b:s2+s10], $0x1, v2, vm0, $0x4038;
	[tilespmem:$0xA000] =	vst v63  }
0x4d: {  	s18 =	simm.s32 $0x20;
	v1 =	vor.u32 $0x180, v1;
	(ifvalue) =	ssetifvalue $0x7FFFFFFF  }
0x4e: {  	s19 =	simm.s32 $0x80;
	s17 =	sadd.s32 $0x100, s20;
	(ifvalue) =	ssetifvalue $0x7FFFFFFF  }
0x4f: {  	[tilespmem:s17], [sflag:$0x1] =	stream.indirect_vreg.gather [hbm4b:s2+s10], $0x1, v3, vm0, $0x4038;
	[tilespmem:$0xA000] =	vst v63  }
0x50: {  	s16 =	simm.s32 $0x40;
	s20 =	sadd.s32 $0x180, s20;
	(ifvalue) =	ssetifvalue $0x7FFFFFFF  }
0x51: {  	s15 =	simm.s32 $0x10;
	s17 =	simm.s32 $0x10;
	(ifvalue) =	ssetifvalue $0x7FFFFFFF  }
.LBB2_3:
0x52: {  	[tilespmem:s20], [sflag:$0x1] =	stream.indirect_vreg.gather [hbm4b:s2+s10], $0x1, v1, vm0, $0x4038;
	[tilespmem:$0xA000] =	vst v63  }
0x53: {  	p1 =	sne.s32 s18, $0xFF0;
	s20 =	sadd.s32 s17, s14;
	s17 =	sshra.s32 s19, $0x2  }
0x54: {  	v1 =	vld.msk [tilespmem:s20+$0x0 ss:$0x1], $0xffff;
	s20 =	smov.u32 s18;
	s18 =	sadd.s32 $0x10, s18  }
0x55: {  	(ifvalue) =	ssetifvalue $0x7FFFFFFF;
	_ =	sdelay $0x4  }
0x56: {  	v2 =	vshrl.u32 v1, $0x1;
	v3 =	vand.u32 $0x1, v1;
	v4 =	vshll.u32 v1, $0x1  }
0x57: {  	vm1 =	veq.s32 v1, $0x80000000;
	v1 =	vand.u32 $0x3FF, v2;
	vm2 =	veq.s32 v3, $0x1  }
0x58: {  	v3 =	vand.u32 $0x7C0000, v4;
	v1 =	vsel vm1, $0xFFFFFFFF, v1;
	v2 =	vsel vm2, $0x500000, v0  }
0x59: {  	v2 =	vadd.s32 v3, v2;
	v3 =	vand.u32 $0x3F000, v4;
	v4 =	vshll.u32 v1, $0x2  }
0x5a: {  	v2 =	vor.u32 v3, v2  }
0x5b: {  	v3 =	vand.u32 $0xFFFFFE00, v4;
	v2 =	vsel vm1, $0xFFABF000, v2  }
0x5c: {  	v1 =	vand.u32 $0x7F, v1;
	v2 =	vadd.s32 v3, v2  }
0x5d: {  	v1 =	vor.u32 v1, v2;
	_ =	sdelay $0x1  }
0x5e: {  	s21 =	sand.u32 $0x3E00, s16;
	s16 =	smov.u32 s19  }
0x5f: {  	s22 =	sand.u32 $0x70, s15;
	s21 =	sadd.s32 s21, s13;
	s15 =	smov.u32 s20;
	v2 =	vor.u32 $0x80, v1  }
0x60: {  	s20 =	sadd.s32 s22, s21;
	(ifvalue) =	ssetifvalue $0x7FFFFFFF  }
0x61: {  	[tilespmem:s20], [sflag:$0x1] =	stream.indirect_vreg.gather [hbm4b:s2+s10], $0x1, v1, vm0, $0x4038;
	[tilespmem:$0xA000] =	vst v63  }
0x62: {  	v3 =	vor.u32 $0x100, v1;
	(ifvalue) =	ssetifvalue $0x7FFFFFFF  }
0x63: {  	s21 =	sadd.s32 $0x80, s20;
	(ifvalue) =	ssetifvalue $0x7FFFFFFF  }
0x64: {  	[tilespmem:s21], [sflag:$0x1] =	stream.indirect_vreg.gather [hbm4b:s2+s10], $0x1, v2, vm0, $0x4038;
	[tilespmem:$0xA000] =	vst v63  }
.Ltmp3:
0x65: {  	v1 =	vor.u32 $0x180, v1;
	(ifvalue) =	ssetifvalue $0x7FFFFFFF;
	(pc) =	sbr.rel @p1 .LBB2_3-.Ltmp3, $4  }
0x66: {  	s21 =	sadd.s32 $0x100, s20;
	(ifvalue) =	ssetifvalue $0x7FFFFFFF  }
0x67: {  	[tilespmem:s21], [sflag:$0x1] =	stream.indirect_vreg.gather [hbm4b:s2+s10], $0x1, v3, vm0, $0x4038;
	[tilespmem:$0xA000] =	vst v63  }
0x68: {  	(ifvalue) =	ssetifvalue $0x7FFFFFFF  }
0x69: {  	s19 =	sadd.s32 $0x40, s19;
	s20 =	sadd.s32 $0x180, s20;
	(ifvalue) =	ssetifvalue $0x7FFFFFFF  }
.Ltmp4:
0x6a: {  	_ = 	snop;
	(pc) =	sbr.rel .LBB2_4-.Ltmp4, $1  }
0x6b: {  	_ =	sdelay $0x3  }
.LBB2_6:
0x6c: {  	_ =	sfence.sel $0x180000  }
0x6d: {  	s2 =	simm.s32 $0x2;
	[bflag:$0x0] =	sbarrier.arrive $0xFFFF  }
0x6e: {  	s30 =	simm.s32 $0x3;
	[sflag:s2] =	ssyncpa.u1 $0x1  }
0x6f: {  	s31 =	simm.s32 $0x1;
	[sflag:s30] =	ssyncpa.u1 $0x1  }
0x70: {  	[sflag:s31] =	ssyncpa.u1 $0x1  }
0x71: {  	p0 =	sne.s32 s1, $0x0;
	_ =	strace $0x90000050  }
0x72: {  	s0 =	sadd.s32 @!p0 $0x100000, s0;
	[bflag:$0x2] =	sbarrier.arrive $0xFFFF  }
0x73: {  	[sflag:s0] =	ssyncadd.tile.s32 @!p0 $0x1;
	_ =	shalt  }
.Lfunc_end2:
_tile_overlayer_lowered:
.L_overlay_start_2:
0x74: {  	(tag) =	ssettag $0x2  }
0x75: {  	s0 =	rddreg [dreg:$0x0];
	s2 =	stileid.u32  }
0x76: {  	s1 =	rddreg [dreg:$0x1];
	p0 =	sne.s32 s2, $0x0  }
0x77: {  	s3 =	rddreg [dreg:$0x2];
	[bflag:$0x3] =	sbarrier.arrive $0xFFFF;
	s2 =	simm.s32 @!p0 $0x1C01  }
0x78: {  	[timem:s3], [sflag:s2] =	dma.local @!p0 [hbm:s0], s1  }
0x79: {  	s0 =	simm.s32 @!p0 $0x1  }
0x7a: {  	_ =	swait.ge @!p0 [sflag:s0], s1  }
0x7b: {  	s1 =	ssub.s32 @!p0 $0x0, s1;
	[sflag:s0] =	ssyncset.done @!p0 $0x0  }
0x7c: {  	[sflag:s0] =	ssyncadd.s32 @!p0 s1  }
0x7d: {  	[bflag:$0x3] =	sbarrier.arrive $0xFFFF  }
0x7e: {  	_ =	shalt  }

// kernel: gather_offload_async_start
scs
__scs_entry_jumppad:
0x0: {  	(pc) =	sbr.rel $0x88, $3  }
0x1: {  	(tag) =	ssettag $0x0;
	lr =	simm.s32 $0x1  }
0x2: {  	[smem:$0x3F97] =	sst lr;
	_ =	strace $0xD0000000  }
0x3: {  	_ = 	snop  }
0x4: {  	_ = 	snop  }
0x5: {  	_ = 	snop  }
0x6: {  	_ = 	snop  }
0x7: {  	_ = 	snop  }
__scs_overlays_trampoline_lowered:
0x8: {  	[smem:$0x3FA6] =	sst s0  }
0x9: {  	[smem:$0x3FA7] =	sst s1  }
0xa: {  	[smem:$0x3FA8] =	sst s2  }
0xb: {  	[smem:$0x3FA9] =	sst s3  }
0xc: {  	[smem:$0x3FAA] =	sst s4  }
0xd: {  	[smem:$0x3FAB] =	sst s5  }
0xe: {  	[smem:$0x3FAC] =	sst s6  }
0xf: {  	[smem:$0x3FAD] =	sst s7  }
0x10: {  	[smem:$0x3FAE] =	sst s8  }
0x11: {  	[smem:$0x3FAF] =	sst s9;
	s0 =	simm.s32 @!p0 $0x0  }
0x12: {  	s1 =	sld [smem:$0x3F95];
	s0 =	simm.s32 @p0 $0x1  }
0x13: {  	[smem:$0x3FB0] =	sst s0;
	s0 =	simm.s32 @!p1 $0x0  }
0x14: {  	s2 =	sld [smem:$0x3F94];
	s0 =	simm.s32 @p1 $0x1  }
0x15: {  	[smem:$0x3FB1] =	sst s0;
	s0 =	simm.s32 @!p2 $0x0  }
0x16: {  	s3 =	sld [smem:$0x3FDB];
	s0 =	simm.s32 @p2 $0x1  }
0x17: {  	s4 =	simm.s32 $0x1BF5;
	[smem:$0x3FB3] =	sst s0  }
0x18: {  	s0 =	sld [smem:$0x3F96];
	_ =	swait.ge [sflag:s4], $0x0  }
0x19: {  	s7 =	sld [smem:$0x3F97]  }
0x1a: {  	s8 =	sadd.s32 $0xFFFFE003, lr  }
0x1b: {  	s9 =	sadd.s32 $0xFFFFFEF7, lr;
	s5 =	simm.s32 $0xFFFFFFFF;
	p2 =	slt.u32 s8, $0xFFFFF086  }
0x1c: {  	p1 =	slt.u32 s9, $0xF7A;
	s5 =	simm.s32 @!p2 $0x0  }
0x1d: {  	s5 =	simm.s32 @p1 $0x1;
	p0 =	seq.s32 s7, s2  }
0x1e: {  	s7 =	smul.u32 @!p0 $0xF7A, s2;
	p2 =	seq.s32 @!p0 s5, $0x0  }
0x1f: {  	s9 =	smul.u32 $0xF7A, s1;
	s8 =	simm.s32 @!p0 $0x1BF5;
	p2 =	por !p2, p0  }
0x20: {  	[sflag:s8] =	ssyncset.s32 @!p0 $0xFFFFF086;
	s6 =	sadd.s32 @!p0 s3, s7;
	s7 =	simm.s32 @!p0 $0x108  }
0x21: {  	s3 =	sadd.s32 s3, s9;
	s6 =	sadd.s32 @!p0 $0x88, s6;
	s7 =	simm.s32 @p2 $0x1082  }
0x22: {  	[simem:s7], [sflag:s8] =	dma.local @!p0 [hbm:s6], $0xF7A  }
0x23: {  	s9 =	sor.u32 $0xD0000000, s2;
	s6 =	simm.s32 $0x108;
	_ =	swait.ge @!p0 [sflag:s8], $0x0  }
0x24: {  	s3 =	sadd.s32 $0x88, s3;
	s6 =	simm.s32 @!p1 $0x1082;
	[sflag:s4] =	ssyncset.s32 $0xFFFFF086  }
0x25: {  	[simem:s6], [sflag:s4] =	dma.local [hbm:s3], $0xF7A  }
0x26: {  	[smem:$0x3F97] =	sst s1;
	(tag) =	ssettag s2;
	_ =	strace s9  }
0x27: {  	s1 =	sld [smem:$0x3FA7]  }
0x28: {  	s2 =	sld [smem:$0x3FA8]  }
0x29: {  	s4 =	sld [smem:$0x3FAA]  }
0x2a: {  	p0 =	seq.s32 s5, $0x0;
	s5 =	sld [smem:$0x3FAB]  }
0x2b: {  	s6 =	sld [smem:$0x3FAC]  }
0x2c: {  	s7 =	sld [smem:$0x3FAD]  }
0x2d: {  	s3 =	simm.s32 $0x108;
	s8 =	sld [smem:$0x3FAE]  }
0x2e: {  	s3 =	simm.s32 @!p0 $0x1082;
	s9 =	sld [smem:$0x3FAF]  }
0x2f: {  	lr =	sadd.s32 s0, s3;
	s0 =	sld [smem:$0x3FA6]  }
0x30: {  	s3 =	sld [smem:$0x3FA9]  }
0x31: {  	[smem:$0x3FB2] =	sst s10  }
0x32: {  	s10 =	sld [smem:$0x3FB0];
	_ =	sdelay $0x3  }
0x33: {  	p0 =	seq.s32 s10, $0x1;
	s10 =	sld [smem:$0x3FB2];
	_ =	sdelay $0x3  }
0x34: {  	[smem:$0x3FB2] =	sst s10  }
0x35: {  	s10 =	sld [smem:$0x3FB1];
	_ =	sdelay $0x3  }
0x36: {  	p1 =	seq.s32 s10, $0x1;
	s10 =	sld [smem:$0x3FB2];
	_ =	sdelay $0x3  }
0x37: {  	[smem:$0x3FB2] =	sst s10  }
0x38: {  	s10 =	sld [smem:$0x3FB3]  }
0x39: {  	_ = 	snop;
	(pc) =	sbr.ind lr, $3  }
0x3a: {  	_ = 	snop  }
0x3b: {  	_ = 	snop  }
0x3c: {  	p2 =	seq.s32 s10, $0x1;
	s10 =	sld [smem:$0x3FB2]  }
0x3d: {  	_ =	shalt  }
0x3e: {  	_ =	shalt  }
0x3f: {  	_ =	shalt  }
0x40: {  	_ =	shalt  }
0x41: {  	_ =	shalt  }
0x42: {  	_ =	shalt  }
0x43: {  	_ =	shalt  }
0x44: {  	_ =	shalt  }
0x45: {  	_ =	shalt  }
0x46: {  	_ =	shalt  }
0x47: {  	_ =	shalt  }
0x48: {  	_ =	shalt  }
0x49: {  	_ =	shalt  }
0x4a: {  	_ =	shalt  }
0x4b: {  	_ =	shalt  }
0x4c: {  	_ =	shalt  }
0x4d: {  	_ =	shalt  }
0x4e: {  	_ =	shalt  }
0x4f: {  	_ =	shalt  }
0x50: {  	_ =	shalt  }
0x51: {  	_ =	shalt  }
0x52: {  	_ =	shalt  }
0x53: {  	_ =	shalt  }
0x54: {  	_ =	shalt  }
0x55: {  	_ =	shalt  }
0x56: {  	_ =	shalt  }
0x57: {  	_ =	shalt  }
0x58: {  	_ =	shalt  }
0x59: {  	_ =	shalt  }
0x5a: {  	_ =	shalt  }
0x5b: {  	_ =	shalt  }
0x5c: {  	_ =	shalt  }
0x5d: {  	_ =	shalt  }
0x5e: {  	_ =	shalt  }
0x5f: {  	_ =	shalt  }
0x60: {  	_ =	shalt  }
0x61: {  	_ =	shalt  }
0x62: {  	_ =	shalt  }
0x63: {  	_ =	shalt  }
0x64: {  	_ =	shalt  }
0x65: {  	_ =	shalt  }
0x66: {  	_ =	shalt  }
0x67: {  	_ =	shalt  }
0x68: {  	_ =	shalt  }
0x69: {  	_ =	shalt  }
0x6a: {  	_ =	shalt  }
0x6b: {  	_ =	shalt  }
0x6c: {  	_ =	shalt  }
0x6d: {  	_ =	shalt  }
0x6e: {  	_ =	shalt  }
0x6f: {  	_ =	shalt  }
0x70: {  	_ =	shalt  }
0x71: {  	_ =	shalt  }
0x72: {  	_ =	shalt  }
0x73: {  	_ =	shalt  }
0x74: {  	_ =	shalt  }
0x75: {  	_ =	shalt  }
0x76: {  	_ =	shalt  }
0x77: {  	_ =	shalt  }
0x78: {  	_ =	shalt  }
0x79: {  	_ =	shalt  }
0x7a: {  	_ =	shalt  }
0x7b: {  	_ =	shalt  }
0x7c: {  	_ =	shalt  }
0x7d: {  	_ =	shalt  }
0x7e: {  	_ =	shalt  }
0x7f: {  	_ =	shalt  }
0x80: {  	_ =	shalt  }
0x81: {  	_ =	shalt  }
0x82: {  	_ =	shalt  }
0x83: {  	_ =	shalt  }
0x84: {  	_ =	shalt  }
0x85: {  	_ =	shalt  }
0x86: {  	_ =	shalt  }
0x87: {  	_ =	shalt  }
.Lfunc_end0:
.L_simem_size_0:
called_computation_lowered:
.L_overlay_start_0:
0x88: {  	s2 =	sld [smem:$0x3FD9]  }
0x89: {  	s3 =	sld [smem:$0x3FFE];
	_ =	sdelay $0x1  }
0x8a: {  	s1 =	srdreg.scid  }
0x8b: {  	s0 =	sand.u32 $0x1, s1  }
0x8c: {  	s16 =	sshll.u32 s0, $0xA;
	s2 =	sadd.s32 s3, s2  }
0x8d: {  	s2 =	sadd.s32 s2, s16  }
0x8e: {  	[smem:$0x3FBE] =	sst s2  }
0x8f: {  	_ = 	snop  }
0x90: {  	(tm) =	ssettm $0x1  }
0x91: {  	s17 =	sld [smem:$0x3FFB];
	_ =	sdelay $0x3  }
0x92: {  	_ =	strace s17  }
0x93: {  	s2 =	sld [smem:$0x3FFC];
	_ =	sdelay $0x3  }
0x94: {  	_ =	strace s2  }
0x95: {  	s2 =	sld [smem:$0x3FFD];
	_ =	sdelay $0x3  }
0x96: {  	_ =	strace s2  }
0x97: {  	_ =	strace $0x8FFFFFFF  }
0x98: {  	s18 =	sld [smem:$0x3FDB];
	_ =	sdelay $0x1  }
0x99: {  	s19 =	simm.s32 $_scs_section_size  }
0x9a: {  	s4 =	simm.s32 $_size__tile_overlayer_lowered;
	s5 =	simm.s32 $_tile_overlayer_lowered  }
0x9b: {  	s22 =	simm.s32 $0x1BFF;
	s21 =	sshll.u32 s5, $0x1;
	s2 =	sadd.s32 s19, s18  }
0x9c: {  	s6 =	simm.s32 $0x0;
	s20 =	sshll.u32 s4, $0x1;
	s4 =	sadd.s32 s21, s2  }
0x9d: {  	[timem:s6], [sflag:s22] =	dma.local [hbm:s4], s20  }
0x9e: {  	_ =	swait.ge [sflag:s22], s20  }
0x9f: {  	s3 =	ssub.s32 $0x0, s20;
	[sflag:s22] =	ssyncset.done $0x0  }
0xa0: {  	[sflag:s22] =	ssyncadd.s32 s3;
	_ =	sdelay $0x1  }
0xa1: {  	s23 =	simm.s32 $0x1B8B  }
0xa2: {  	_ =	swait.ge [sflag:s23], $0x1  }
0xa3: {  	[sflag:s23] =	ssyncset.done $0x0  }
0xa4: {  	s25 =	simm.s32 $0x1B8E;
	s24 =	sld [smem:$0x3FFE];
	[sflag:s23] =	ssyncadd.s32 $0xFFFFFFFF  }
0xa5: {  	s26 =	simm.s32 $execute0_lowered;
	[smem:$0x3FD2] =	sst s25  }
0xa6: {  	s4 =	sshll.u32 s26, $0x1;
	_ =	strace $0x80000046;
	[dreg:$0x1] =	wrdreg $0xFFFFFFFF  }
0xa7: {  	s28 =	simm.s32 $_size_execute0_lowered;
	s2 =	sadd.s32 s2, s4;
	[dreg:$0x0] =	wrdreg $0x0  }
0xa8: {  	s4 =	sshll.u32 s28, $0x1;
	[dreg:$0x2] =	wrdreg s2  }
0xa9: {  	[dreg:$0x3] =	wrdreg s4  }
0xaa: {  	[dreg:$0x4] =	wrdreg $0xC0  }
0xab: {  	_ =	task [dreg:s6], $0x5FFFF  }
0xac: {  	[dreg:$0x1] =	wrdreg $0xFFFFFFFF  }
0xad: {  	[dreg:$0x0] =	wrdreg $0x60  }
0xae: {  	[dreg:$0x2] =	wrdreg s24  }
0xaf: {  	[dreg:$0x3] =	wrdreg $0x9  }
0xb0: {  	_ =	task.clear_ibuf [dreg:s6], $0x4FFFF;
	_ =	strace $0x90000046  }
0xb1: {  	s29 =	simm.s32 $0x9;
	_ =	strace $0x80000048  }
0xb2: {  	_ =	swait.ge [sflag:s29], $0x1  }
0xb3: {  	[sflag:s29] =	ssyncadd.s32 $0xFFFFFFFF  }
0xb4: {  	_ =	strace $0x90000048  }
0xb5: {  	_ =	sfence  }
0xb6: {  	s30 =	sld [smem:$0x0];
	_ =	sdelay $0x2  }
0xb7: {  	s31 =	sshll.u32 s1, $0xD;
	s1 =	sshrl.u32 s1, $0x2  }
0xb8: {  	s3 =	sand.u32 $0x4000, s31;
	s1 =	sadd.s32 s1, s30  }
0xb9: {  	s0 =	sor.u32 s3, s0;
	s1 =	sshll.u32 s1, $0x11  }
0xba: {  	s0 =	sor.u32 s1, s0  }
0xbb: {  	s0 =	sadd.s32 $0x8F2B, s0  }
0xbc: {  	[sflag:s0] =	ssyncadd.remote.s32 $0x1  }
0xbd: {  	_ =	sfence.sel $0xFFFF  }
0xbe: {  	[dreg:$0x0] =	wrdreg $0xFFFFFFFF;
	(pc) =	sbr.abs _section_cstart, $3  }
0xbf: {  	[dreg:$0x1] =	wrdreg $0xFFFFFFFF  }
0xc0: {  	_ =	task.clear_ibuf [dreg:s6], $0x2FFFF;
	_ =	strace $0x9FFFFFFF  }
0xc1: {  	(tm) =	ssettm $0x7FFFFFFF  }
tec
execute0_lowered:
.L_overlay_start_1:
0x0: {  	(tag) =	ssettag $0x1  }
0x1: {  	s1 =	srdreg.scid  }
0x2: {  	s0 =	stileid.u32;
	s6 =	rddreg [dreg:$0x0]  }
0x3: {  	s5 =	simm.s32 $0x2;
	s10 =	simm.s32 $0x3;
	s1 =	sshll.u32 s1, $0xC  }
0x4: {  	s12 =	simm.s32 $0x0;
	s2 =	sshll.u32 s0, $0xD;
	s3 =	sand.u32 $0x1000, s1  }
0x5: {  	s11 =	simm.s32 $0x0;
	s1 =	rddreg [dreg:$0x1];
	s2 =	sor.u32 s2, s3  }
0x6: {  	_ =	strace $0x80000047;
	s3 =	sadd.s32 $0x54000, s6;
	s4 =	sshrl.u32 s2, $0x3  }
0x7: {  	s7 =	ssub.s32 $0x20000, s2;
	s8 =	sadd.s32 s4, s6;
	s4 =	simm.s32 $0x1  }
.Ltmp0:
0x8: {  	s9 =	sand.u32 $0x1F000, s7;
	s7 =	sshrl.u32 s7, $0x11;
	(pc) =	sbr.rel .LBB2_1-.Ltmp0, $4  }
0x9: {  	s6 =	sadd.s32 $0x194000, s6;
	p0 =	sne.s32 s9, $0x0;
	s9 =	simm.s32 $0x1  }
0xa: {  	[sflag:s4] =	ssyncpa.u1 $0x0;
	s8 =	sadd.s32 $0x50000, s8;
	s9 =	simm.s32 @!p0 $0x0  }
0xb: {  	[sflag:s5] =	ssyncpa.u1 $0x0;
	p0 =	por $0x0, $0x0;
	s7 =	sadd.s32 s9, s7  }
0xc: {  	vm0 =	vmmov $0xffff;
	v0 =	vimm.s32 $0x0;
	[sflag:s10] =	ssyncpa.u1 $0x0;
	s10 =	simm.s32 $0x0;
	s9 =	sadd.s32 $0x1, s7  }
.LBB2_4:
0xd: {  	_ =	sdelay $0x3  }
0xe: {  	[tilespmem:s20], [sflag:$0x1] =	stream.indirect_vreg.gather [hbm4b:s3+s10], $0x1, v1, vm0, $0x4038;
	[tilespmem:$0xA000] =	vst v63  }
0xf: {  	s14 =	sadd.s32 s17, s14  }
0x10: {  	v1 =	vld.msk [tilespmem:s14+$0x0 ss:$0x1], $0xffff;
	_ =	sdelay $0x4  }
0x11: {  	v2 =	vshrl.u32 v1, $0x1;
	v3 =	vand.u32 $0x1, v1  }
0x12: {  	v4 =	vshll.u32 v1, $0x1;
	vm1 =	veq.s32 v1, $0x80000000;
	vm2 =	veq.s32 v3, $0x1  }
0x13: {  	v1 =	vand.u32 $0x3FF, v2;
	v3 =	vand.u32 $0x7C0000, v4;
	v2 =	vsel vm2, $0x500000, v0  }
0x14: {  	v1 =	vsel vm1, $0xFFFFFFFF, v1;
	v2 =	vadd.s32 v3, v2;
	v3 =	vand.u32 $0x3F000, v4  }
0x15: {  	v63 =	vshll.u32 v1, $0x2;
	v2 =	vor.u32 v3, v2  }
0x16: {  	v3 =	vand.u32 $0xFFFFFE00, v63;
	v2 =	vsel vm1, $0xFFABF000, v2  }
0x17: {  	v1 =	vand.u32 $0x7F, v1;
	v2 =	vadd.s32 v3, v2  }
0x18: {  	v1 =	vor.u32 v1, v2;
	_ =	sdelay $0x1  }
0x19: {  	s28 =	sand.u32 $0x3E00, s16  }
0x1a: {  	s15 =	sand.u32 $0x70, s15;
	(ifvalue) =	ssetifvalue $0x7FFFFFFF;
	s14 =	sadd.s32 s28, s13;
	v2 =	vor.u32 $0x80, v1  }
0x1b: {  	s14 =	sadd.s32 s15, s14;
	(ifvalue) =	ssetifvalue $0x7FFFFFFF  }
0x1c: {  	[tilespmem:s14], [sflag:$0x1] =	stream.indirect_vreg.gather [hbm4b:s3+s10], $0x1, v1, vm0, $0x4038;
	[tilespmem:$0xA000] =	vst v63  }
0x1d: {  	v3 =	vor.u32 $0x100, v1;
	(ifvalue) =	ssetifvalue $0x7FFFFFFF  }
0x1e: {  	s15 =	sadd.s32 $0x80, s14;
	(ifvalue) =	ssetifvalue $0x7FFFFFFF  }
0x1f: {  	[tilespmem:s15], [sflag:$0x1] =	stream.indirect_vreg.gather [hbm4b:s3+s10], $0x1, v2, vm0, $0x4038;
	[tilespmem:$0xA000] =	vst v63  }
0x20: {  	v1 =	vor.u32 $0x180, v1;
	(ifvalue) =	ssetifvalue $0x7FFFFFFF  }
0x21: {  	s29 =	sadd.s32 $0x100, s14;
	(ifvalue) =	ssetifvalue $0x7FFFFFFF  }
0x22: {  	[tilespmem:s29], [sflag:$0x1] =	stream.indirect_vreg.gather [hbm4b:s3+s10], $0x1, v3, vm0, $0x4038;
	[tilespmem:$0xA000] =	vst v63  }
0x23: {  	(ifvalue) =	ssetifvalue $0x7FFFFFFF  }
0x24: {  	s30 =	sshll.u32 s12, $0x2;
	s14 =	sadd.s32 $0x180, s14;
	(ifvalue) =	ssetifvalue $0x7FFFFFFF  }
0x25: {  	[tilespmem:s14], [sflag:$0x1] =	stream.indirect_vreg.gather [hbm4b:s3+s10], $0x1, v1, vm0, $0x4038;
	[tilespmem:$0xA000] =	vst v63  }
0x26: {  	s31 =	sand.u32 $0x78, s12;
	s14 =	sand.u32 $0x7FFFFE00, s30  }
0x27: {  	_ =	swait.ge [sflag:s4], $0x4000;
	s12 =	sor.u32 s31, s14  }
0x28: {  	[sflag:s4] =	ssyncset.done $0x0;
	s12 =	sshrl.u32 s12, $0x3  }
0x29: {  	[sflag:s4] =	ssyncadd.s32 $0xFFFFC000;
	s12 =	sadd.s32 s6, s12  }
0x2a: {  	[hbm:s12] =	stream.linear.scatter [tilespmem:s13], [sflag:$0x3], $0x4000, $0x38;
	[tilespmem:$0xA000] =	vst v63  }
.LBB2_5:
0x2b: {  	p2 =	sne.s32 s11, s9  }
.Ltmp1:
0x2c: {  	p1 =	slt.u32 s11, $0x2;
	(pc) =	sbr.rel @!p2 .LBB2_6-.Ltmp1, $4  }
0x2d: {  	s12 =	simm.s32 @!p1 $0x3  }
0x2e: {  	_ =	swait.ge @!p1 [sflag:s12], $0x4000  }
0x2f: {  	s13 =	sadd.s32 $0x1, s11;
	p0 =	por !p0, !p0;
	[sflag:s12] =	ssyncset.done @!p1 $0x0  }
0x30: {  	s11 =	smov.u32 s13;
	[sflag:s12] =	ssyncadd.s32 @!p1 $0xFFFFC000;
	s12 =	smov.u32 s2  }
.LBB2_1:
0x31: {  	p1 =	sge.u32 s11, s7  }
0x32: {  	s13 =	sxor.u32 @!p1 $0xFFFFFFFF, s11  }
0x33: {  	s13 =	sshll.u32 @!p1 s13, $0xC  }
0x34: {  	s31 =	sadd.s32 $0xFFFFFFFF, s11;
	s14 =	simm.s32 @!p1 $0x0;
	s13 =	sand.u32 @!p1 $0x1000, s13  }
0x35: {  	[tilespmem:s13], [sflag:$0x2] =	stream.linear.gather @!p1 [hbm4b:s8+s14], $0x1000, $0x38;
	[tilespmem:$0xA000] =	vst v63  }
0x36: {  	p1 =	sge.u32 s31, s7  }
.Ltmp2:
0x37: {  	_ = 	snop;
	(pc) =	sbr.rel @p1 .LBB2_5-.Ltmp2, $1  }
0x38: {  	_ =	sdelay $0x3  }
0x39: {  	s13 =	simm.s32 $0x1  }
0x3a: {  	_ =	swait.ge [sflag:s5], $0x1000;
	s13 =	simm.s32 @!p0 $0x0  }
0x3b: {  	[sflag:s5] =	ssyncset.done $0x0;
	s14 =	sshll.u32 s13, $0xC  }
0x3c: {  	[sflag:s5] =	ssyncadd.s32 $0xFFFFF000;
	s13 =	sadd.s32 $0x0, s14  }
0x3d: {  	v1 =	vld.msk [tilespmem:s13+$0x0 ss:$0x1], $0xffff;
	_ =	sdelay $0x4  }
0x3e: {  	v2 =	vshrl.u32 v1, $0x1;
	v3 =	vand.u32 $0x1, v1  }
0x3f: {  	v4 =	vshll.u32 v1, $0x1;
	vm1 =	veq.s32 v1, $0x80000000;
	vm2 =	veq.s32 v3, $0x1  }
0x40: {  	v1 =	vand.u32 $0x3FF, v2;
	v3 =	vand.u32 $0x7C0000, v4;
	v2 =	vsel vm2, $0x500000, v0  }
0x41: {  	v1 =	vsel vm1, $0xFFFFFFFF, v1;
	v2 =	vadd.s32 v3, v2;
	v3 =	vand.u32 $0x3F000, v4  }
0x42: {  	v63 =	vshll.u32 v1, $0x2;
	v2 =	vor.u32 v3, v2  }
0x43: {  	v3 =	vand.u32 $0xFFFFFE00, v63;
	v2 =	vsel vm1, $0xFFABF000, v2  }
0x44: {  	v1 =	vand.u32 $0x7F, v1;
	v2 =	vadd.s32 v3, v2  }
0x45: {  	s31 =	sshll.u32 s11, $0xE;
	v1 =	vor.u32 v1, v2  }
0x46: {  	s15 =	simm.s32 $0x0;
	s13 =	sand.u32 $0x4000, s31  }
0x47: {  	s16 =	sand.u32 $0x3E00, s15;
	s13 =	sor.u32 $0x2000, s13  }
0x48: {  	s15 =	sand.u32 $0x70, s15;
	(ifvalue) =	ssetifvalue $0x7FFFFFFF;
	s16 =	sadd.s32 s16, s13;
	v2 =	vor.u32 $0x80, v1  }
0x49: {  	(ifvalue) =	ssetifvalue $0x7FFFFFFF;
	s20 =	sadd.s32 s15, s16  }
0x4a: {  	[tilespmem:s20], [sflag:$0x1] =	stream.indirect_vreg.gather [hbm4b:s3+s10], $0x1, v1, vm0, $0x4038;
	[tilespmem:$0xA000] =	vst v63  }
0x4b: {  	v3 =	vor.u32 $0x100, v1;
	(ifvalue) =	ssetifvalue $0x7FFFFFFF  }
0x4c: {  	s15 =	sadd.s32 $0x80, s20;
	(ifvalue) =	ssetifvalue $0x7FFFFFFF  }
0x4d: {  	[tilespmem:s15], [sflag:$0x1] =	stream.indirect_vreg.gather [hbm4b:s3+s10], $0x1, v2, vm0, $0x4038;
	[tilespmem:$0xA000] =	vst v63  }
0x4e: {  	s18 =	simm.s32 $0x20;
	v1 =	vor.u32 $0x180, v1;
	(ifvalue) =	ssetifvalue $0x7FFFFFFF  }
0x4f: {  	s19 =	simm.s32 $0x80;
	s17 =	sadd.s32 $0x100, s20;
	(ifvalue) =	ssetifvalue $0x7FFFFFFF  }
0x50: {  	[tilespmem:s17], [sflag:$0x1] =	stream.indirect_vreg.gather [hbm4b:s3+s10], $0x1, v3, vm0, $0x4038;
	[tilespmem:$0xA000] =	vst v63  }
0x51: {  	s16 =	simm.s32 $0x40;
	s20 =	sadd.s32 $0x180, s20;
	(ifvalue) =	ssetifvalue $0x7FFFFFFF  }
0x52: {  	s15 =	simm.s32 $0x10;
	s17 =	simm.s32 $0x10;
	(ifvalue) =	ssetifvalue $0x7FFFFFFF  }
.LBB2_3:
0x53: {  	[tilespmem:s20], [sflag:$0x1] =	stream.indirect_vreg.gather [hbm4b:s3+s10], $0x1, v1, vm0, $0x4038;
	[tilespmem:$0xA000] =	vst v63  }
0x54: {  	p1 =	sne.s32 s18, $0xFF0;
	s20 =	sadd.s32 s17, s14;
	s17 =	sshra.s32 s19, $0x2  }
0x55: {  	v1 =	vld.msk [tilespmem:s20+$0x0 ss:$0x1], $0xffff;
	s20 =	smov.u32 s18;
	s18 =	sadd.s32 $0x10, s18  }
0x56: {  	(ifvalue) =	ssetifvalue $0x7FFFFFFF;
	_ =	sdelay $0x4  }
0x57: {  	v2 =	vshrl.u32 v1, $0x1;
	v3 =	vand.u32 $0x1, v1;
	v4 =	vshll.u32 v1, $0x1  }
0x58: {  	vm1 =	veq.s32 v1, $0x80000000;
	v1 =	vand.u32 $0x3FF, v2;
	vm2 =	veq.s32 v3, $0x1  }
0x59: {  	v3 =	vand.u32 $0x7C0000, v4;
	v1 =	vsel vm1, $0xFFFFFFFF, v1;
	v2 =	vsel vm2, $0x500000, v0  }
0x5a: {  	v2 =	vadd.s32 v3, v2;
	v3 =	vand.u32 $0x3F000, v4;
	v4 =	vshll.u32 v1, $0x2  }
0x5b: {  	v2 =	vor.u32 v3, v2  }
0x5c: {  	v3 =	vand.u32 $0xFFFFFE00, v4;
	v2 =	vsel vm1, $0xFFABF000, v2  }
0x5d: {  	v1 =	vand.u32 $0x7F, v1;
	v2 =	vadd.s32 v3, v2  }
0x5e: {  	v1 =	vor.u32 v1, v2;
	_ =	sdelay $0x1  }
0x5f: {  	s21 =	sand.u32 $0x3E00, s16;
	s16 =	smov.u32 s19  }
0x60: {  	s22 =	sand.u32 $0x70, s15;
	s21 =	sadd.s32 s21, s13;
	s15 =	smov.u32 s20;
	v2 =	vor.u32 $0x80, v1  }
0x61: {  	s20 =	sadd.s32 s22, s21;
	(ifvalue) =	ssetifvalue $0x7FFFFFFF  }
0x62: {  	[tilespmem:s20], [sflag:$0x1] =	stream.indirect_vreg.gather [hbm4b:s3+s10], $0x1, v1, vm0, $0x4038;
	[tilespmem:$0xA000] =	vst v63  }
0x63: {  	v3 =	vor.u32 $0x100, v1;
	(ifvalue) =	ssetifvalue $0x7FFFFFFF  }
0x64: {  	s21 =	sadd.s32 $0x80, s20;
	(ifvalue) =	ssetifvalue $0x7FFFFFFF  }
0x65: {  	[tilespmem:s21], [sflag:$0x1] =	stream.indirect_vreg.gather [hbm4b:s3+s10], $0x1, v2, vm0, $0x4038;
	[tilespmem:$0xA000] =	vst v63  }
.Ltmp3:
0x66: {  	v1 =	vor.u32 $0x180, v1;
	(ifvalue) =	ssetifvalue $0x7FFFFFFF;
	(pc) =	sbr.rel @p1 .LBB2_3-.Ltmp3, $4  }
0x67: {  	s21 =	sadd.s32 $0x100, s20;
	(ifvalue) =	ssetifvalue $0x7FFFFFFF  }
0x68: {  	[tilespmem:s21], [sflag:$0x1] =	stream.indirect_vreg.gather [hbm4b:s3+s10], $0x1, v3, vm0, $0x4038;
	[tilespmem:$0xA000] =	vst v63  }
0x69: {  	(ifvalue) =	ssetifvalue $0x7FFFFFFF  }
0x6a: {  	s19 =	sadd.s32 $0x40, s19;
	s20 =	sadd.s32 $0x180, s20;
	(ifvalue) =	ssetifvalue $0x7FFFFFFF  }
.Ltmp4:
0x6b: {  	_ = 	snop;
	(pc) =	sbr.rel .LBB2_4-.Ltmp4, $1  }
0x6c: {  	_ =	sdelay $0x3  }
.LBB2_6:
0x6d: {  	_ =	sfence.sel $0x180000  }
0x6e: {  	s2 =	simm.s32 $0x2;
	[bflag:$0x0] =	sbarrier.arrive $0xFFFF  }
0x6f: {  	s30 =	simm.s32 $0x3;
	[sflag:s2] =	ssyncpa.u1 $0x1  }
0x70: {  	s31 =	simm.s32 $0x1;
	[sflag:s30] =	ssyncpa.u1 $0x1  }
0x71: {  	[sflag:s31] =	ssyncpa.u1 $0x1  }
0x72: {  	p0 =	sne.s32 s0, $0x0;
	_ =	strace $0x90000047  }
0x73: {  	s0 =	sadd.s32 @!p0 $0x100000, s1;
	[bflag:$0x2] =	sbarrier.arrive $0xFFFF  }
0x74: {  	[sflag:s0] =	ssyncadd.tile.s32 @!p0 $0x1;
	_ =	shalt  }
.Lfunc_end2:
_tile_overlayer_lowered:
.L_overlay_start_2:
0x75: {  	(tag) =	ssettag $0x2  }
0x76: {  	s0 =	rddreg [dreg:$0x0];
	s2 =	stileid.u32  }
0x77: {  	s1 =	rddreg [dreg:$0x1];
	p0 =	sne.s32 s2, $0x0  }
0x78: {  	s3 =	rddreg [dreg:$0x2];
	[bflag:$0x3] =	sbarrier.arrive $0xFFFF;
	s2 =	simm.s32 @!p0 $0x1C01  }
0x79: {  	[timem:s3], [sflag:s2] =	dma.local @!p0 [hbm:s0], s1  }
0x7a: {  	s0 =	simm.s32 @!p0 $0x1  }
0x7b: {  	_ =	swait.ge @!p0 [sflag:s0], s1  }
0x7c: {  	s1 =	ssub.s32 @!p0 $0x0, s1;
	[sflag:s0] =	ssyncset.done @!p0 $0x0  }
0x7d: {  	[sflag:s0] =	ssyncadd.s32 @!p0 s1  }
0x7e: {  	[bflag:$0x3] =	sbarrier.arrive $0xFFFF  }
0x7f: {  	_ =	shalt  }

</sc_bundles>
